<compile_context>
chip_gen: v7x
topology: tpu7x:2x2x1
jax: 0.10.2.dev20260603
libtpu: 0.0.44.dev20260713+nightly
codegen_flags: <defaults>
</compile_context>

<pallas_src>
import functools

import jax
import jax.numpy as jnp
from jax import lax
from jax.experimental import pallas as pl
from jax.experimental.pallas import tpu as pltpu
from jax.experimental.pallas import tpu_sc as plsc

B = 16384
D = 128
G = 1000
NW = 32
CH = 64
ROWS_PER_W = B // NW
NCH = ROWS_PER_W // CH


def _sc_body(in_hbm, idx_hbm, deltas_hbm, out_hbm, idx_v, tbl_s, *rest):
    bufs = rest[:NCH]
    xsems = rest[NCH:2 * NCH]
    gsems = rest[2 * NCH:3 * NCH]
    osems = rest[3 * NCH:4 * NCH]
    c = lax.axis_index("c")
    s = lax.axis_index("s")
    wid = s * 2 + c
    base = wid * ROWS_PER_W

    xd = [pltpu.async_copy(in_hbm.at[pl.ds(base + j * CH, CH)], bufs[j], xsems[j])
          for j in range(NCH)]

    pltpu.sync_copy(idx_hbm.at[pl.ds(wid * NCH, NCH)], idx_v)

    @pl.when(s == 0)
    def _load_table():
        pltpu.sync_copy(deltas_hbm, tbl_s)

    plsc.subcore_barrier()

    gd = []
    for j in range(NCH):
        xd[j].wait()
        gd.append(pltpu.async_copy(tbl_s.at[idx_v.at[j]], bufs[j],
                                   gsems[j], add=True))
    od = []
    for j in range(NCH):
        gd[j].wait()
        od.append(pltpu.async_copy(bufs[j], out_hbm.at[pl.ds(base + j * CH, CH)],
                                   osems[j]))
    for j in range(NCH):
        od[j].wait()


@jax.jit
def kernel(in_repr, group_idx, deltas):
    idx2 = group_idx.astype(jnp.int32).reshape(B // CH, CH)
    mesh = plsc.VectorSubcoreMesh(core_axis_name="c", subcore_axis_name="s")
    fn = functools.partial(
        pl.kernel,
        mesh=mesh,
        out_type=jax.ShapeDtypeStruct((B, D), jnp.float32),
        scratch_types=(
            [pltpu.VMEM((NCH, CH), jnp.int32),
             pltpu.VMEM_SHARED((G, D), jnp.float32)]
            + [pltpu.VMEM((CH, D), jnp.float32) for _ in range(NCH)]
            + [pltpu.SemaphoreType.DMA for _ in range(3 * NCH)]
        ),
    )(_sc_body)
    return fn(in_repr, idx2, deltas)

# --- scband reference (transcript-rebuilt; emitter-appended) ---
"""Pipeline reference for scband-prototype-add-29429115912554 (READ-ONLY COPY).

The authoritative reference and input builder live on the scoring server;
editing this copy changes nothing except your own understanding.
"""

import jax, jax.numpy as jnp
import numpy as np

N_GROUPS = 1000
N_PROTOTYPES = 128
BATCH = 16384

def setup_inputs(seed: int = 0) -> dict:
    key = jax.random.key(seed)
    k1, k2, k3 = jax.random.split(key, 3)
    in_repr = jax.random.normal(k1, (BATCH, N_PROTOTYPES), dtype=jnp.float32)
    group_idx = jax.random.randint(k2, (BATCH,), 0, N_GROUPS, dtype=jnp.int64)
    deltas = 0.01 * jax.random.normal(k3, (N_GROUPS, N_PROTOTYPES), dtype=jnp.float32)
    return {"in_repr": in_repr, "group_idx": group_idx, "deltas": deltas}

def reference(in_repr, group_idx, deltas):
    # PrototypeAdd.forward: gather per-group delta rows and add to input representation
    gathered = jnp.take(deltas, group_idx, axis=0)  # [batch, n_prototypes]
    return in_repr + gathered

if __name__ == "__main__":
    import jax
    _d = setup_inputs()
    print(jax.jit(kernel)(*tuple(_d.values())))

</pallas_src>

<mosaic_0001>
#map = affine_map<(d0, d1) -> (0, 0)>
module attributes {stable_mosaic.version = 14 : i64} {
  func.func @_sc_body(%arg0: i32, %arg1: i32, %arg2: memref<16384x128xf32, #tpu.memory_space<hbm>>, %arg3: memref<256x64xi32, #tpu.memory_space<hbm>>, %arg4: memref<1000x128xf32, #tpu.memory_space<hbm>>, %arg5: memref<16384x128xf32, #tpu.memory_space<hbm>>, %arg6: memref<8x64xi32, #tpu.memory_space<vmem>>, %arg7: memref<1000x128xf32, #tpu.memory_space<vmem_shared>>, %arg8: memref<64x128xf32, #tpu.memory_space<vmem>>, %arg9: memref<64x128xf32, #tpu.memory_space<vmem>>, %arg10: memref<64x128xf32, #tpu.memory_space<vmem>>, %arg11: memref<64x128xf32, #tpu.memory_space<vmem>>, %arg12: memref<64x128xf32, #tpu.memory_space<vmem>>, %arg13: memref<64x128xf32, #tpu.memory_space<vmem>>, %arg14: memref<64x128xf32, #tpu.memory_space<vmem>>, %arg15: memref<64x128xf32, #tpu.memory_space<vmem>>, %arg16: memref<!tpu.dma_semaphore, #tpu.memory_space<semaphore_mem>>, %arg17: memref<!tpu.dma_semaphore, #tpu.memory_space<semaphore_mem>>, %arg18: memref<!tpu.dma_semaphore, #tpu.memory_space<semaphore_mem>>, %arg19: memref<!tpu.dma_semaphore, #tpu.memory_space<semaphore_mem>>, %arg20: memref<!tpu.dma_semaphore, #tpu.memory_space<semaphore_mem>>, %arg21: memref<!tpu.dma_semaphore, #tpu.memory_space<semaphore_mem>>, %arg22: memref<!tpu.dma_semaphore, #tpu.memory_space<semaphore_mem>>, %arg23: memref<!tpu.dma_semaphore, #tpu.memory_space<semaphore_mem>>, %arg24: memref<!tpu.dma_semaphore, #tpu.memory_space<semaphore_mem>>, %arg25: memref<!tpu.dma_semaphore, #tpu.memory_space<semaphore_mem>>, %arg26: memref<!tpu.dma_semaphore, #tpu.memory_space<semaphore_mem>>, %arg27: memref<!tpu.dma_semaphore, #tpu.memory_space<semaphore_mem>>, %arg28: memref<!tpu.dma_semaphore, #tpu.memory_space<semaphore_mem>>, %arg29: memref<!tpu.dma_semaphore, #tpu.memory_space<semaphore_mem>>, %arg30: memref<!tpu.dma_semaphore, #tpu.memory_space<semaphore_mem>>, %arg31: memref<!tpu.dma_semaphore, #tpu.memory_space<semaphore_mem>>, %arg32: memref<!tpu.dma_semaphore, #tpu.memory_space<semaphore_mem>>, %arg33: memref<!tpu.dma_semaphore, #tpu.memory_space<semaphore_mem>>, %arg34: memref<!tpu.dma_semaphore, #tpu.memory_space<semaphore_mem>>, %arg35: memref<!tpu.dma_semaphore, #tpu.memory_space<semaphore_mem>>, %arg36: memref<!tpu.dma_semaphore, #tpu.memory_space<semaphore_mem>>, %arg37: memref<!tpu.dma_semaphore, #tpu.memory_space<semaphore_mem>>, %arg38: memref<!tpu.dma_semaphore, #tpu.memory_space<semaphore_mem>>, %arg39: memref<!tpu.dma_semaphore, #tpu.memory_space<semaphore_mem>>) attributes {dimension_semantics = [#tpu.dimension_semantics<core_parallel>, #tpu.dimension_semantics<subcore_parallel>], iteration_bounds = array<i64: 2, 16>, scalar_prefetch = 0 : i64, scratch_operands = 34 : i64, tpu.core_type = #tpu.core_type<sc_vector_subcore>, window_params = [{transform_indices = #map}, {transform_indices = #map}, {transform_indices = #map}, {transform_indices = #map}]} {
    %mul3A = arith.constant 2 : i32
    %mul3A_0 = arith.muli %arg1, %mul3A : i32
    %add3A = arith.addi %mul3A_0, %arg0 : i32
    %mul3A_1 = arith.constant 512 : i32
    %mul3A_2 = arith.muli %add3A, %mul3A_1 : i32
    %add3A_3 = arith.constant 0 : i32
    %add3A_4 = arith.addi %mul3A_2, %add3A_3 : i32
    %dma_start3A = arith.constant 0 : i32
    %dma_start3A_5 = tpu.memref_slice %arg2[%add3A_4, %dma_start3A] : memref<16384x128xf32, #tpu.memory_space<hbm>> -> memref<64x128xf32, #tpu.memory_space<hbm>>
    %dma_start3A_6 = arith.constant 0 : i32
    %dma_start3A_7 = tpu.memref_slice %arg2[%add3A_4, %dma_start3A_6] : memref<16384x128xf32, #tpu.memory_space<hbm>> -> memref<64x128xf32, #tpu.memory_space<hbm>>
    tpu.enqueue_dma source(%dma_start3A_7 : memref<64x128xf32, #tpu.memory_space<hbm>>) target(%arg8 : memref<64x128xf32, #tpu.memory_space<vmem>>) target_semaphore(%arg16 : memref<!tpu.dma_semaphore, #tpu.memory_space<semaphore_mem>>)
    %add3A_8 = arith.constant 64 : i32
    %add3A_9 = arith.addi %mul3A_2, %add3A_8 : i32
    %dma_start3A_10 = arith.constant 0 : i32
    %dma_start3A_11 = tpu.memref_slice %arg2[%add3A_9, %dma_start3A_10] : memref<16384x128xf32, #tpu.memory_space<hbm>> -> memref<64x128xf32, #tpu.memory_space<hbm>>
    %dma_start3A_12 = arith.constant 0 : i32
    %dma_start3A_13 = tpu.memref_slice %arg2[%add3A_9, %dma_start3A_12] : memref<16384x128xf32, #tpu.memory_space<hbm>> -> memref<64x128xf32, #tpu.memory_space<hbm>>
    tpu.enqueue_dma source(%dma_start3A_13 : memref<64x128xf32, #tpu.memory_space<hbm>>) target(%arg9 : memref<64x128xf32, #tpu.memory_space<vmem>>) target_semaphore(%arg17 : memref<!tpu.dma_semaphore, #tpu.memory_space<semaphore_mem>>)
    %add3A_14 = arith.constant 128 : i32
    %add3A_15 = arith.addi %mul3A_2, %add3A_14 : i32
    %dma_start3A_16 = arith.constant 0 : i32
    %dma_start3A_17 = tpu.memref_slice %arg2[%add3A_15, %dma_start3A_16] : memref<16384x128xf32, #tpu.memory_space<hbm>> -> memref<64x128xf32, #tpu.memory_space<hbm>>
    %dma_start3A_18 = arith.constant 0 : i32
    %dma_start3A_19 = tpu.memref_slice %arg2[%add3A_15, %dma_start3A_18] : memref<16384x128xf32, #tpu.memory_space<hbm>> -> memref<64x128xf32, #tpu.memory_space<hbm>>
    tpu.enqueue_dma source(%dma_start3A_19 : memref<64x128xf32, #tpu.memory_space<hbm>>) target(%arg10 : memref<64x128xf32, #tpu.memory_space<vmem>>) target_semaphore(%arg18 : memref<!tpu.dma_semaphore, #tpu.memory_space<semaphore_mem>>)
    %add3A_20 = arith.constant 192 : i32
    %add3A_21 = arith.addi %mul3A_2, %add3A_20 : i32
    %dma_start3A_22 = arith.constant 0 : i32
    %dma_start3A_23 = tpu.memref_slice %arg2[%add3A_21, %dma_start3A_22] : memref<16384x128xf32, #tpu.memory_space<hbm>> -> memref<64x128xf32, #tpu.memory_space<hbm>>
    %dma_start3A_24 = arith.constant 0 : i32
    %dma_start3A_25 = tpu.memref_slice %arg2[%add3A_21, %dma_start3A_24] : memref<16384x128xf32, #tpu.memory_space<hbm>> -> memref<64x128xf32, #tpu.memory_space<hbm>>
    tpu.enqueue_dma source(%dma_start3A_25 : memref<64x128xf32, #tpu.memory_space<hbm>>) target(%arg11 : memref<64x128xf32, #tpu.memory_space<vmem>>) target_semaphore(%arg19 : memref<!tpu.dma_semaphore, #tpu.memory_space<semaphore_mem>>)
    %add3A_26 = arith.constant 256 : i32
    %add3A_27 = arith.addi %mul3A_2, %add3A_26 : i32
    %dma_start3A_28 = arith.constant 0 : i32
    %dma_start3A_29 = tpu.memref_slice %arg2[%add3A_27, %dma_start3A_28] : memref<16384x128xf32, #tpu.memory_space<hbm>> -> memref<64x128xf32, #tpu.memory_space<hbm>>
    %dma_start3A_30 = arith.constant 0 : i32
    %dma_start3A_31 = tpu.memref_slice %arg2[%add3A_27, %dma_start3A_30] : memref<16384x128xf32, #tpu.memory_space<hbm>> -> memref<64x128xf32, #tpu.memory_space<hbm>>
    tpu.enqueue_dma source(%dma_start3A_31 : memref<64x128xf32, #tpu.memory_space<hbm>>) target(%arg12 : memref<64x128xf32, #tpu.memory_space<vmem>>) target_semaphore(%arg20 : memref<!tpu.dma_semaphore, #tpu.memory_space<semaphore_mem>>)
    %add3A_32 = arith.constant 320 : i32
    %add3A_33 = arith.addi %mul3A_2, %add3A_32 : i32
    %dma_start3A_34 = arith.constant 0 : i32
    %dma_start3A_35 = tpu.memref_slice %arg2[%add3A_33, %dma_start3A_34] : memref<16384x128xf32, #tpu.memory_space<hbm>> -> memref<64x128xf32, #tpu.memory_space<hbm>>
    %dma_start3A_36 = arith.constant 0 : i32
    %dma_start3A_37 = tpu.memref_slice %arg2[%add3A_33, %dma_start3A_36] : memref<16384x128xf32, #tpu.memory_space<hbm>> -> memref<64x128xf32, #tpu.memory_space<hbm>>
    tpu.enqueue_dma source(%dma_start3A_37 : memref<64x128xf32, #tpu.memory_space<hbm>>) target(%arg13 : memref<64x128xf32, #tpu.memory_space<vmem>>) target_semaphore(%arg21 : memref<!tpu.dma_semaphore, #tpu.memory_space<semaphore_mem>>)
    %add3A_38 = arith.constant 384 : i32
    %add3A_39 = arith.addi %mul3A_2, %add3A_38 : i32
    %dma_start3A_40 = arith.constant 0 : i32
    %dma_start3A_41 = tpu.memref_slice %arg2[%add3A_39, %dma_start3A_40] : memref<16384x128xf32, #tpu.memory_space<hbm>> -> memref<64x128xf32, #tpu.memory_space<hbm>>
    %dma_start3A_42 = arith.constant 0 : i32
    %dma_start3A_43 = tpu.memref_slice %arg2[%add3A_39, %dma_start3A_42] : memref<16384x128xf32, #tpu.memory_space<hbm>> -> memref<64x128xf32, #tpu.memory_space<hbm>>
    tpu.enqueue_dma source(%dma_start3A_43 : memref<64x128xf32, #tpu.memory_space<hbm>>) target(%arg14 : memref<64x128xf32, #tpu.memory_space<vmem>>) target_semaphore(%arg22 : memref<!tpu.dma_semaphore, #tpu.memory_space<semaphore_mem>>)
    %add3A_44 = arith.constant 448 : i32
    %add3A_45 = arith.addi %mul3A_2, %add3A_44 : i32
    %dma_start3A_46 = arith.constant 0 : i32
    %dma_start3A_47 = tpu.memref_slice %arg2[%add3A_45, %dma_start3A_46] : memref<16384x128xf32, #tpu.memory_space<hbm>> -> memref<64x128xf32, #tpu.memory_space<hbm>>
    %dma_start3A_48 = arith.constant 0 : i32
    %dma_start3A_49 = tpu.memref_slice %arg2[%add3A_45, %dma_start3A_48] : memref<16384x128xf32, #tpu.memory_space<hbm>> -> memref<64x128xf32, #tpu.memory_space<hbm>>
    tpu.enqueue_dma source(%dma_start3A_49 : memref<64x128xf32, #tpu.memory_space<hbm>>) target(%arg15 : memref<64x128xf32, #tpu.memory_space<vmem>>) target_semaphore(%arg23 : memref<!tpu.dma_semaphore, #tpu.memory_space<semaphore_mem>>)
    %mul3A_50 = arith.constant 8 : i32
    %mul3A_51 = arith.muli %add3A, %mul3A_50 : i32
    "tpu.region"() ({
      %run_scoped3A = tpu.sem_alloc : memref<!tpu.dma_semaphore, #tpu.memory_space<semaphore_mem>>
      %dma_start3A_277 = arith.constant 0 : i32
      %dma_start3A_278 = tpu.memref_slice %arg3[%mul3A_51, %dma_start3A_277] : memref<256x64xi32, #tpu.memory_space<hbm>> -> memref<8x64xi32, #tpu.memory_space<hbm>>
      %dma_start3A_279 = arith.constant 0 : i32
      %dma_start3A_280 = tpu.memref_slice %arg3[%mul3A_51, %dma_start3A_279] : memref<256x64xi32, #tpu.memory_space<hbm>> -> memref<8x64xi32, #tpu.memory_space<hbm>>
      tpu.enqueue_dma source(%dma_start3A_280 : memref<8x64xi32, #tpu.memory_space<hbm>>) target(%arg6 : memref<8x64xi32, #tpu.memory_space<vmem>>) target_semaphore(%run_scoped3A : memref<!tpu.dma_semaphore, #tpu.memory_space<semaphore_mem>>)
      %dma_wait3A_281 = arith.constant 0 : i32
      %dma_wait3A_282 = tpu.memref_slice %arg3[%mul3A_51, %dma_wait3A_281] : memref<256x64xi32, #tpu.memory_space<hbm>> -> memref<8x64xi32, #tpu.memory_space<hbm>>
      %dma_wait3A_283 = arith.constant 0 : i32
      %dma_wait3A_284 = tpu.memref_slice %arg3[%mul3A_51, %dma_wait3A_283] : memref<256x64xi32, #tpu.memory_space<hbm>> -> memref<8x64xi32, #tpu.memory_space<hbm>>
      tpu.wait_dma2 semaphore(%run_scoped3A : memref<!tpu.dma_semaphore, #tpu.memory_space<semaphore_mem>>) src(%dma_wait3A_284 : memref<8x64xi32, #tpu.memory_space<hbm>>) dst(%arg6 : memref<8x64xi32, #tpu.memory_space<vmem>>)
      tpu.yield
    }) : () -> ()
    %eq3A = arith.constant 0 : i32
    %eq3A_52 = arith.cmpi eq, %arg1, %eq3A : i32
    %convert_element_type3A = arith.extui %eq3A_52 : i1 to i32
    %cond3A = arith.constant 0 : i32
    %cond3A_53 = arith.cmpi ne, %convert_element_type3A, %cond3A : i32
    scf.if %cond3A_53 {
      "tpu.region"() ({
        %run_scoped3A = tpu.sem_alloc : memref<!tpu.dma_semaphore, #tpu.memory_space<semaphore_mem>>
        tpu.enqueue_dma source(%arg4 : memref<1000x128xf32, #tpu.memory_space<hbm>>) target(%arg7 : memref<1000x128xf32, #tpu.memory_space<vmem_shared>>) target_semaphore(%run_scoped3A : memref<!tpu.dma_semaphore, #tpu.memory_space<semaphore_mem>>)
        tpu.wait_dma2 semaphore(%run_scoped3A : memref<!tpu.dma_semaphore, #tpu.memory_space<semaphore_mem>>) src(%arg4 : memref<1000x128xf32, #tpu.memory_space<hbm>>) dst(%arg7 : memref<1000x128xf32, #tpu.memory_space<vmem_shared>>)
        tpu.yield
      }) : () -> ()
    } else {
    }
    %barrier3A = arith.constant 0 : index
    tpu.barrier barrier_id(%barrier3A)
    %dma_wait3A = arith.constant 0 : i32
    %dma_wait3A_54 = tpu.memref_slice %arg2[%add3A_4, %dma_wait3A] : memref<16384x128xf32, #tpu.memory_space<hbm>> -> memref<64x128xf32, #tpu.memory_space<hbm>>
    %dma_wait3A_55 = arith.constant 0 : i32
    %dma_wait3A_56 = tpu.memref_slice %arg2[%add3A_4, %dma_wait3A_55] : memref<16384x128xf32, #tpu.memory_space<hbm>> -> memref<64x128xf32, #tpu.memory_space<hbm>>
    tpu.wait_dma2 semaphore(%arg16 : memref<!tpu.dma_semaphore, #tpu.memory_space<semaphore_mem>>) src(%dma_wait3A_56 : memref<64x128xf32, #tpu.memory_space<hbm>>) dst(%arg8 : memref<64x128xf32, #tpu.memory_space<vmem>>)
    %dma_start3A_57 = arith.constant 0 : i32
    %dma_start3A_58 = arith.constant 0 : i32
    %dma_start3A_59 = tpu.memref_slice %arg6[%dma_start3A_57, %dma_start3A_58] : memref<8x64xi32, #tpu.memory_space<vmem>> -> memref<1x64xi32, #tpu.memory_space<vmem>>
    %dma_start3A_60 = tpu.memref_squeeze %dma_start3A_59 : memref<1x64xi32, #tpu.memory_space<vmem>> -> memref<64xi32, #tpu.memory_space<vmem>>
    %dma_start3A_61 = arith.constant 0 : i32
    %dma_start3A_62 = arith.constant 0 : i32
    %dma_start3A_63 = tpu.memref_slice %arg7[%dma_start3A_61, %dma_start3A_62] : memref<1000x128xf32, #tpu.memory_space<vmem_shared>> -> memref<1000x128xf32, #tpu.memory_space<vmem_shared>>
    tpu.enqueue_indirect_dma source(%dma_start3A_63 : memref<1000x128xf32, #tpu.memory_space<vmem_shared>>) target(%arg8 : memref<64x128xf32, #tpu.memory_space<vmem>>) offsets(%dma_start3A_60 : memref<64xi32, #tpu.memory_space<vmem>>) semaphore(%arg24 : memref<!tpu.dma_semaphore, #tpu.memory_space<semaphore_mem>>) {add = true}
    %dma_wait3A_64 = arith.constant 0 : i32
    %dma_wait3A_65 = tpu.memref_slice %arg2[%add3A_9, %dma_wait3A_64] : memref<16384x128xf32, #tpu.memory_space<hbm>> -> memref<64x128xf32, #tpu.memory_space<hbm>>
    %dma_wait3A_66 = arith.constant 0 : i32
    %dma_wait3A_67 = tpu.memref_slice %arg2[%add3A_9, %dma_wait3A_66] : memref<16384x128xf32, #tpu.memory_space<hbm>> -> memref<64x128xf32, #tpu.memory_space<hbm>>
    tpu.wait_dma2 semaphore(%arg17 : memref<!tpu.dma_semaphore, #tpu.memory_space<semaphore_mem>>) src(%dma_wait3A_67 : memref<64x128xf32, #tpu.memory_space<hbm>>) dst(%arg9 : memref<64x128xf32, #tpu.memory_space<vmem>>)
    %dma_start3A_68 = arith.constant 1 : i32
    %dma_start3A_69 = arith.constant 0 : i32
    %dma_start3A_70 = tpu.memref_slice %arg6[%dma_start3A_68, %dma_start3A_69] : memref<8x64xi32, #tpu.memory_space<vmem>> -> memref<1x64xi32, #tpu.memory_space<vmem>>
    %dma_start3A_71 = tpu.memref_squeeze %dma_start3A_70 : memref<1x64xi32, #tpu.memory_space<vmem>> -> memref<64xi32, #tpu.memory_space<vmem>>
    %dma_start3A_72 = arith.constant 0 : i32
    %dma_start3A_73 = arith.constant 0 : i32
    %dma_start3A_74 = tpu.memref_slice %arg7[%dma_start3A_72, %dma_start3A_73] : memref<1000x128xf32, #tpu.memory_space<vmem_shared>> -> memref<1000x128xf32, #tpu.memory_space<vmem_shared>>
    tpu.enqueue_indirect_dma source(%dma_start3A_74 : memref<1000x128xf32, #tpu.memory_space<vmem_shared>>) target(%arg9 : memref<64x128xf32, #tpu.memory_space<vmem>>) offsets(%dma_start3A_71 : memref<64xi32, #tpu.memory_space<vmem>>) semaphore(%arg25 : memref<!tpu.dma_semaphore, #tpu.memory_space<semaphore_mem>>) {add = true}
    %dma_wait3A_75 = arith.constant 0 : i32
    %dma_wait3A_76 = tpu.memref_slice %arg2[%add3A_15, %dma_wait3A_75] : memref<16384x128xf32, #tpu.memory_space<hbm>> -> memref<64x128xf32, #tpu.memory_space<hbm>>
    %dma_wait3A_77 = arith.constant 0 : i32
    %dma_wait3A_78 = tpu.memref_slice %arg2[%add3A_15, %dma_wait3A_77] : memref<16384x128xf32, #tpu.memory_space<hbm>> -> memref<64x128xf32, #tpu.memory_space<hbm>>
    tpu.wait_dma2 semaphore(%arg18 : memref<!tpu.dma_semaphore, #tpu.memory_space<semaphore_mem>>) src(%dma_wait3A_78 : memref<64x128xf32, #tpu.memory_space<hbm>>) dst(%arg10 : memref<64x128xf32, #tpu.memory_space<vmem>>)
    %dma_start3A_79 = arith.constant 2 : i32
    %dma_start3A_80 = arith.constant 0 : i32
    %dma_start3A_81 = tpu.memref_slice %arg6[%dma_start3A_79, %dma_start3A_80] : memref<8x64xi32, #tpu.memory_space<vmem>> -> memref<1x64xi32, #tpu.memory_space<vmem>>
    %dma_start3A_82 = tpu.memref_squeeze %dma_start3A_81 : memref<1x64xi32, #tpu.memory_space<vmem>> -> memref<64xi32, #tpu.memory_space<vmem>>
    %dma_start3A_83 = arith.constant 0 : i32
    %dma_start3A_84 = arith.constant 0 : i32
    %dma_start3A_85 = tpu.memref_slice %arg7[%dma_start3A_83, %dma_start3A_84] : memref<1000x128xf32, #tpu.memory_space<vmem_shared>> -> memref<1000x128xf32, #tpu.memory_space<vmem_shared>>
    tpu.enqueue_indirect_dma source(%dma_start3A_85 : memref<1000x128xf32, #tpu.memory_space<vmem_shared>>) target(%arg10 : memref<64x128xf32, #tpu.memory_space<vmem>>) offsets(%dma_start3A_82 : memref<64xi32, #tpu.memory_space<vmem>>) semaphore(%arg26 : memref<!tpu.dma_semaphore, #tpu.memory_space<semaphore_mem>>) {add = true}
    %dma_wait3A_86 = arith.constant 0 : i32
    %dma_wait3A_87 = tpu.memref_slice %arg2[%add3A_21, %dma_wait3A_86] : memref<16384x128xf32, #tpu.memory_space<hbm>> -> memref<64x128xf32, #tpu.memory_space<hbm>>
    %dma_wait3A_88 = arith.constant 0 : i32
    %dma_wait3A_89 = tpu.memref_slice %arg2[%add3A_21, %dma_wait3A_88] : memref<16384x128xf32, #tpu.memory_space<hbm>> -> memref<64x128xf32, #tpu.memory_space<hbm>>
    tpu.wait_dma2 semaphore(%arg19 : memref<!tpu.dma_semaphore, #tpu.memory_space<semaphore_mem>>) src(%dma_wait3A_89 : memref<64x128xf32, #tpu.memory_space<hbm>>) dst(%arg11 : memref<64x128xf32, #tpu.memory_space<vmem>>)
    %dma_start3A_90 = arith.constant 3 : i32
    %dma_start3A_91 = arith.constant 0 : i32
    %dma_start3A_92 = tpu.memref_slice %arg6[%dma_start3A_90, %dma_start3A_91] : memref<8x64xi32, #tpu.memory_space<vmem>> -> memref<1x64xi32, #tpu.memory_space<vmem>>
    %dma_start3A_93 = tpu.memref_squeeze %dma_start3A_92 : memref<1x64xi32, #tpu.memory_space<vmem>> -> memref<64xi32, #tpu.memory_space<vmem>>
    %dma_start3A_94 = arith.constant 0 : i32
    %dma_start3A_95 = arith.constant 0 : i32
    %dma_start3A_96 = tpu.memref_slice %arg7[%dma_start3A_94, %dma_start3A_95] : memref<1000x128xf32, #tpu.memory_space<vmem_shared>> -> memref<1000x128xf32, #tpu.memory_space<vmem_shared>>
    tpu.enqueue_indirect_dma source(%dma_start3A_96 : memref<1000x128xf32, #tpu.memory_space<vmem_shared>>) target(%arg11 : memref<64x128xf32, #tpu.memory_space<vmem>>) offsets(%dma_start3A_93 : memref<64xi32, #tpu.memory_space<vmem>>) semaphore(%arg27 : memref<!tpu.dma_semaphore, #tpu.memory_space<semaphore_mem>>) {add = true}
    %dma_wait3A_97 = arith.constant 0 : i32
    %dma_wait3A_98 = tpu.memref_slice %arg2[%add3A_27, %dma_wait3A_97] : memref<16384x128xf32, #tpu.memory_space<hbm>> -> memref<64x128xf32, #tpu.memory_space<hbm>>
    %dma_wait3A_99 = arith.constant 0 : i32
    %dma_wait3A_100 = tpu.memref_slice %arg2[%add3A_27, %dma_wait3A_99] : memref<16384x128xf32, #tpu.memory_space<hbm>> -> memref<64x128xf32, #tpu.memory_space<hbm>>
    tpu.wait_dma2 semaphore(%arg20 : memref<!tpu.dma_semaphore, #tpu.memory_space<semaphore_mem>>) src(%dma_wait3A_100 : memref<64x128xf32, #tpu.memory_space<hbm>>) dst(%arg12 : memref<64x128xf32, #tpu.memory_space<vmem>>)
    %dma_start3A_101 = arith.constant 4 : i32
    %dma_start3A_102 = arith.constant 0 : i32
    %dma_start3A_103 = tpu.memref_slice %arg6[%dma_start3A_101, %dma_start3A_102] : memref<8x64xi32, #tpu.memory_space<vmem>> -> memref<1x64xi32, #tpu.memory_space<vmem>>
    %dma_start3A_104 = tpu.memref_squeeze %dma_start3A_103 : memref<1x64xi32, #tpu.memory_space<vmem>> -> memref<64xi32, #tpu.memory_space<vmem>>
    %dma_start3A_105 = arith.constant 0 : i32
    %dma_start3A_106 = arith.constant 0 : i32
    %dma_start3A_107 = tpu.memref_slice %arg7[%dma_start3A_105, %dma_start3A_106] : memref<1000x128xf32, #tpu.memory_space<vmem_shared>> -> memref<1000x128xf32, #tpu.memory_space<vmem_shared>>
    tpu.enqueue_indirect_dma source(%dma_start3A_107 : memref<1000x128xf32, #tpu.memory_space<vmem_shared>>) target(%arg12 : memref<64x128xf32, #tpu.memory_space<vmem>>) offsets(%dma_start3A_104 : memref<64xi32, #tpu.memory_space<vmem>>) semaphore(%arg28 : memref<!tpu.dma_semaphore, #tpu.memory_space<semaphore_mem>>) {add = true}
    %dma_wait3A_108 = arith.constant 0 : i32
    %dma_wait3A_109 = tpu.memref_slice %arg2[%add3A_33, %dma_wait3A_108] : memref<16384x128xf32, #tpu.memory_space<hbm>> -> memref<64x128xf32, #tpu.memory_space<hbm>>
    %dma_wait3A_110 = arith.constant 0 : i32
    %dma_wait3A_111 = tpu.memref_slice %arg2[%add3A_33, %dma_wait3A_110] : memref<16384x128xf32, #tpu.memory_space<hbm>> -> memref<64x128xf32, #tpu.memory_space<hbm>>
    tpu.wait_dma2 semaphore(%arg21 : memref<!tpu.dma_semaphore, #tpu.memory_space<semaphore_mem>>) src(%dma_wait3A_111 : memref<64x128xf32, #tpu.memory_space<hbm>>) dst(%arg13 : memref<64x128xf32, #tpu.memory_space<vmem>>)
    %dma_start3A_112 = arith.constant 5 : i32
    %dma_start3A_113 = arith.constant 0 : i32
    %dma_start3A_114 = tpu.memref_slice %arg6[%dma_start3A_112, %dma_start3A_113] : memref<8x64xi32, #tpu.memory_space<vmem>> -> memref<1x64xi32, #tpu.memory_space<vmem>>
    %dma_start3A_115 = tpu.memref_squeeze %dma_start3A_114 : memref<1x64xi32, #tpu.memory_space<vmem>> -> memref<64xi32, #tpu.memory_space<vmem>>
    %dma_start3A_116 = arith.constant 0 : i32
    %dma_start3A_117 = arith.constant 0 : i32
    %dma_start3A_118 = tpu.memref_slice %arg7[%dma_start3A_116, %dma_start3A_117] : memref<1000x128xf32, #tpu.memory_space<vmem_shared>> -> memref<1000x128xf32, #tpu.memory_space<vmem_shared>>
    tpu.enqueue_indirect_dma source(%dma_start3A_118 : memref<1000x128xf32, #tpu.memory_space<vmem_shared>>) target(%arg13 : memref<64x128xf32, #tpu.memory_space<vmem>>) offsets(%dma_start3A_115 : memref<64xi32, #tpu.memory_space<vmem>>) semaphore(%arg29 : memref<!tpu.dma_semaphore, #tpu.memory_space<semaphore_mem>>) {add = true}
    %dma_wait3A_119 = arith.constant 0 : i32
    %dma_wait3A_120 = tpu.memref_slice %arg2[%add3A_39, %dma_wait3A_119] : memref<16384x128xf32, #tpu.memory_space<hbm>> -> memref<64x128xf32, #tpu.memory_space<hbm>>
    %dma_wait3A_121 = arith.constant 0 : i32
    %dma_wait3A_122 = tpu.memref_slice %arg2[%add3A_39, %dma_wait3A_121] : memref<16384x128xf32, #tpu.memory_space<hbm>> -> memref<64x128xf32, #tpu.memory_space<hbm>>
    tpu.wait_dma2 semaphore(%arg22 : memref<!tpu.dma_semaphore, #tpu.memory_space<semaphore_mem>>) src(%dma_wait3A_122 : memref<64x128xf32, #tpu.memory_space<hbm>>) dst(%arg14 : memref<64x128xf32, #tpu.memory_space<vmem>>)
    %dma_start3A_123 = arith.constant 6 : i32
    %dma_start3A_124 = arith.constant 0 : i32
    %dma_start3A_125 = tpu.memref_slice %arg6[%dma_start3A_123, %dma_start3A_124] : memref<8x64xi32, #tpu.memory_space<vmem>> -> memref<1x64xi32, #tpu.memory_space<vmem>>
    %dma_start3A_126 = tpu.memref_squeeze %dma_start3A_125 : memref<1x64xi32, #tpu.memory_space<vmem>> -> memref<64xi32, #tpu.memory_space<vmem>>
    %dma_start3A_127 = arith.constant 0 : i32
    %dma_start3A_128 = arith.constant 0 : i32
    %dma_start3A_129 = tpu.memref_slice %arg7[%dma_start3A_127, %dma_start3A_128] : memref<1000x128xf32, #tpu.memory_space<vmem_shared>> -> memref<1000x128xf32, #tpu.memory_space<vmem_shared>>
    tpu.enqueue_indirect_dma source(%dma_start3A_129 : memref<1000x128xf32, #tpu.memory_space<vmem_shared>>) target(%arg14 : memref<64x128xf32, #tpu.memory_space<vmem>>) offsets(%dma_start3A_126 : memref<64xi32, #tpu.memory_space<vmem>>) semaphore(%arg30 : memref<!tpu.dma_semaphore, #tpu.memory_space<semaphore_mem>>) {add = true}
    %dma_wait3A_130 = arith.constant 0 : i32
    %dma_wait3A_131 = tpu.memref_slice %arg2[%add3A_45, %dma_wait3A_130] : memref<16384x128xf32, #tpu.memory_space<hbm>> -> memref<64x128xf32, #tpu.memory_space<hbm>>
    %dma_wait3A_132 = arith.constant 0 : i32
    %dma_wait3A_133 = tpu.memref_slice %arg2[%add3A_45, %dma_wait3A_132] : memref<16384x128xf32, #tpu.memory_space<hbm>> -> memref<64x128xf32, #tpu.memory_space<hbm>>
    tpu.wait_dma2 semaphore(%arg23 : memref<!tpu.dma_semaphore, #tpu.memory_space<semaphore_mem>>) src(%dma_wait3A_133 : memref<64x128xf32, #tpu.memory_space<hbm>>) dst(%arg15 : memref<64x128xf32, #tpu.memory_space<vmem>>)
    %dma_start3A_134 = arith.constant 7 : i32
    %dma_start3A_135 = arith.constant 0 : i32
    %dma_start3A_136 = tpu.memref_slice %arg6[%dma_start3A_134, %dma_start3A_135] : memref<8x64xi32, #tpu.memory_space<vmem>> -> memref<1x64xi32, #tpu.memory_space<vmem>>
    %dma_start3A_137 = tpu.memref_squeeze %dma_start3A_136 : memref<1x64xi32, #tpu.memory_space<vmem>> -> memref<64xi32, #tpu.memory_space<vmem>>
    %dma_start3A_138 = arith.constant 0 : i32
    %dma_start3A_139 = arith.constant 0 : i32
    %dma_start3A_140 = tpu.memref_slice %arg7[%dma_start3A_138, %dma_start3A_139] : memref<1000x128xf32, #tpu.memory_space<vmem_shared>> -> memref<1000x128xf32, #tpu.memory_space<vmem_shared>>
    tpu.enqueue_indirect_dma source(%dma_start3A_140 : memref<1000x128xf32, #tpu.memory_space<vmem_shared>>) target(%arg15 : memref<64x128xf32, #tpu.memory_space<vmem>>) offsets(%dma_start3A_137 : memref<64xi32, #tpu.memory_space<vmem>>) semaphore(%arg31 : memref<!tpu.dma_semaphore, #tpu.memory_space<semaphore_mem>>) {add = true}
    %dma_wait3A_141 = arith.constant 0 : i32
    %dma_wait3A_142 = arith.constant 0 : i32
    %dma_wait3A_143 = tpu.memref_slice %arg6[%dma_wait3A_141, %dma_wait3A_142] : memref<8x64xi32, #tpu.memory_space<vmem>> -> memref<1x64xi32, #tpu.memory_space<vmem>>
    %dma_wait3A_144 = tpu.memref_squeeze %dma_wait3A_143 : memref<1x64xi32, #tpu.memory_space<vmem>> -> memref<64xi32, #tpu.memory_space<vmem>>
    %dma_wait3A_145 = arith.constant 0 : i32
    %dma_wait3A_146 = arith.constant 0 : i32
    %dma_wait3A_147 = tpu.memref_slice %arg7[%dma_wait3A_145, %dma_wait3A_146] : memref<1000x128xf32, #tpu.memory_space<vmem_shared>> -> memref<1000x128xf32, #tpu.memory_space<vmem_shared>>
    tpu.wait_indirect_dma semaphore(%arg24 : memref<!tpu.dma_semaphore, #tpu.memory_space<semaphore_mem>>) src(%dma_wait3A_147 : memref<1000x128xf32, #tpu.memory_space<vmem_shared>>) dst(%arg8 : memref<64x128xf32, #tpu.memory_space<vmem>>)
    %add3A_148 = arith.constant 0 : i32
    %add3A_149 = arith.addi %mul3A_2, %add3A_148 : i32
    %dma_start3A_150 = arith.constant 0 : i32
    %dma_start3A_151 = tpu.memref_slice %arg5[%add3A_149, %dma_start3A_150] : memref<16384x128xf32, #tpu.memory_space<hbm>> -> memref<64x128xf32, #tpu.memory_space<hbm>>
    %dma_start3A_152 = arith.constant 0 : i32
    %dma_start3A_153 = tpu.memref_slice %arg5[%add3A_149, %dma_start3A_152] : memref<16384x128xf32, #tpu.memory_space<hbm>> -> memref<64x128xf32, #tpu.memory_space<hbm>>
    tpu.enqueue_dma source(%arg8 : memref<64x128xf32, #tpu.memory_space<vmem>>) target(%dma_start3A_153 : memref<64x128xf32, #tpu.memory_space<hbm>>) target_semaphore(%arg32 : memref<!tpu.dma_semaphore, #tpu.memory_space<semaphore_mem>>)
    %dma_wait3A_154 = arith.constant 1 : i32
    %dma_wait3A_155 = arith.constant 0 : i32
    %dma_wait3A_156 = tpu.memref_slice %arg6[%dma_wait3A_154, %dma_wait3A_155] : memref<8x64xi32, #tpu.memory_space<vmem>> -> memref<1x64xi32, #tpu.memory_space<vmem>>
    %dma_wait3A_157 = tpu.memref_squeeze %dma_wait3A_156 : memref<1x64xi32, #tpu.memory_space<vmem>> -> memref<64xi32, #tpu.memory_space<vmem>>
    %dma_wait3A_158 = arith.constant 0 : i32
    %dma_wait3A_159 = arith.constant 0 : i32
    %dma_wait3A_160 = tpu.memref_slice %arg7[%dma_wait3A_158, %dma_wait3A_159] : memref<1000x128xf32, #tpu.memory_space<vmem_shared>> -> memref<1000x128xf32, #tpu.memory_space<vmem_shared>>
    tpu.wait_indirect_dma semaphore(%arg25 : memref<!tpu.dma_semaphore, #tpu.memory_space<semaphore_mem>>) src(%dma_wait3A_160 : memref<1000x128xf32, #tpu.memory_space<vmem_shared>>) dst(%arg9 : memref<64x128xf32, #tpu.memory_space<vmem>>)
    %add3A_161 = arith.constant 64 : i32
    %add3A_162 = arith.addi %mul3A_2, %add3A_161 : i32
    %dma_start3A_163 = arith.constant 0 : i32
    %dma_start3A_164 = tpu.memref_slice %arg5[%add3A_162, %dma_start3A_163] : memref<16384x128xf32, #tpu.memory_space<hbm>> -> memref<64x128xf32, #tpu.memory_space<hbm>>
    %dma_start3A_165 = arith.constant 0 : i32
    %dma_start3A_166 = tpu.memref_slice %arg5[%add3A_162, %dma_start3A_165] : memref<16384x128xf32, #tpu.memory_space<hbm>> -> memref<64x128xf32, #tpu.memory_space<hbm>>
    tpu.enqueue_dma source(%arg9 : memref<64x128xf32, #tpu.memory_space<vmem>>) target(%dma_start3A_166 : memref<64x128xf32, #tpu.memory_space<hbm>>) target_semaphore(%arg33 : memref<!tpu.dma_semaphore, #tpu.memory_space<semaphore_mem>>)
    %dma_wait3A_167 = arith.constant 2 : i32
    %dma_wait3A_168 = arith.constant 0 : i32
    %dma_wait3A_169 = tpu.memref_slice %arg6[%dma_wait3A_167, %dma_wait3A_168] : memref<8x64xi32, #tpu.memory_space<vmem>> -> memref<1x64xi32, #tpu.memory_space<vmem>>
    %dma_wait3A_170 = tpu.memref_squeeze %dma_wait3A_169 : memref<1x64xi32, #tpu.memory_space<vmem>> -> memref<64xi32, #tpu.memory_space<vmem>>
    %dma_wait3A_171 = arith.constant 0 : i32
    %dma_wait3A_172 = arith.constant 0 : i32
    %dma_wait3A_173 = tpu.memref_slice %arg7[%dma_wait3A_171, %dma_wait3A_172] : memref<1000x128xf32, #tpu.memory_space<vmem_shared>> -> memref<1000x128xf32, #tpu.memory_space<vmem_shared>>
    tpu.wait_indirect_dma semaphore(%arg26 : memref<!tpu.dma_semaphore, #tpu.memory_space<semaphore_mem>>) src(%dma_wait3A_173 : memref<1000x128xf32, #tpu.memory_space<vmem_shared>>) dst(%arg10 : memref<64x128xf32, #tpu.memory_space<vmem>>)
    %add3A_174 = arith.constant 128 : i32
    %add3A_175 = arith.addi %mul3A_2, %add3A_174 : i32
    %dma_start3A_176 = arith.constant 0 : i32
    %dma_start3A_177 = tpu.memref_slice %arg5[%add3A_175, %dma_start3A_176] : memref<16384x128xf32, #tpu.memory_space<hbm>> -> memref<64x128xf32, #tpu.memory_space<hbm>>
    %dma_start3A_178 = arith.constant 0 : i32
    %dma_start3A_179 = tpu.memref_slice %arg5[%add3A_175, %dma_start3A_178] : memref<16384x128xf32, #tpu.memory_space<hbm>> -> memref<64x128xf32, #tpu.memory_space<hbm>>
    tpu.enqueue_dma source(%arg10 : memref<64x128xf32, #tpu.memory_space<vmem>>) target(%dma_start3A_179 : memref<64x128xf32, #tpu.memory_space<hbm>>) target_semaphore(%arg34 : memref<!tpu.dma_semaphore, #tpu.memory_space<semaphore_mem>>)
    %dma_wait3A_180 = arith.constant 3 : i32
    %dma_wait3A_181 = arith.constant 0 : i32
    %dma_wait3A_182 = tpu.memref_slice %arg6[%dma_wait3A_180, %dma_wait3A_181] : memref<8x64xi32, #tpu.memory_space<vmem>> -> memref<1x64xi32, #tpu.memory_space<vmem>>
    %dma_wait3A_183 = tpu.memref_squeeze %dma_wait3A_182 : memref<1x64xi32, #tpu.memory_space<vmem>> -> memref<64xi32, #tpu.memory_space<vmem>>
    %dma_wait3A_184 = arith.constant 0 : i32
    %dma_wait3A_185 = arith.constant 0 : i32
    %dma_wait3A_186 = tpu.memref_slice %arg7[%dma_wait3A_184, %dma_wait3A_185] : memref<1000x128xf32, #tpu.memory_space<vmem_shared>> -> memref<1000x128xf32, #tpu.memory_space<vmem_shared>>
    tpu.wait_indirect_dma semaphore(%arg27 : memref<!tpu.dma_semaphore, #tpu.memory_space<semaphore_mem>>) src(%dma_wait3A_186 : memref<1000x128xf32, #tpu.memory_space<vmem_shared>>) dst(%arg11 : memref<64x128xf32, #tpu.memory_space<vmem>>)
    %add3A_187 = arith.constant 192 : i32
    %add3A_188 = arith.addi %mul3A_2, %add3A_187 : i32
    %dma_start3A_189 = arith.constant 0 : i32
    %dma_start3A_190 = tpu.memref_slice %arg5[%add3A_188, %dma_start3A_189] : memref<16384x128xf32, #tpu.memory_space<hbm>> -> memref<64x128xf32, #tpu.memory_space<hbm>>
    %dma_start3A_191 = arith.constant 0 : i32
    %dma_start3A_192 = tpu.memref_slice %arg5[%add3A_188, %dma_start3A_191] : memref<16384x128xf32, #tpu.memory_space<hbm>> -> memref<64x128xf32, #tpu.memory_space<hbm>>
    tpu.enqueue_dma source(%arg11 : memref<64x128xf32, #tpu.memory_space<vmem>>) target(%dma_start3A_192 : memref<64x128xf32, #tpu.memory_space<hbm>>) target_semaphore(%arg35 : memref<!tpu.dma_semaphore, #tpu.memory_space<semaphore_mem>>)
    %dma_wait3A_193 = arith.constant 4 : i32
    %dma_wait3A_194 = arith.constant 0 : i32
    %dma_wait3A_195 = tpu.memref_slice %arg6[%dma_wait3A_193, %dma_wait3A_194] : memref<8x64xi32, #tpu.memory_space<vmem>> -> memref<1x64xi32, #tpu.memory_space<vmem>>
    %dma_wait3A_196 = tpu.memref_squeeze %dma_wait3A_195 : memref<1x64xi32, #tpu.memory_space<vmem>> -> memref<64xi32, #tpu.memory_space<vmem>>
    %dma_wait3A_197 = arith.constant 0 : i32
    %dma_wait3A_198 = arith.constant 0 : i32
    %dma_wait3A_199 = tpu.memref_slice %arg7[%dma_wait3A_197, %dma_wait3A_198] : memref<1000x128xf32, #tpu.memory_space<vmem_shared>> -> memref<1000x128xf32, #tpu.memory_space<vmem_shared>>
    tpu.wait_indirect_dma semaphore(%arg28 : memref<!tpu.dma_semaphore, #tpu.memory_space<semaphore_mem>>) src(%dma_wait3A_199 : memref<1000x128xf32, #tpu.memory_space<vmem_shared>>) dst(%arg12 : memref<64x128xf32, #tpu.memory_space<vmem>>)
    %add3A_200 = arith.constant 256 : i32
    %add3A_201 = arith.addi %mul3A_2, %add3A_200 : i32
    %dma_start3A_202 = arith.constant 0 : i32
    %dma_start3A_203 = tpu.memref_slice %arg5[%add3A_201, %dma_start3A_202] : memref<16384x128xf32, #tpu.memory_space<hbm>> -> memref<64x128xf32, #tpu.memory_space<hbm>>
    %dma_start3A_204 = arith.constant 0 : i32
    %dma_start3A_205 = tpu.memref_slice %arg5[%add3A_201, %dma_start3A_204] : memref<16384x128xf32, #tpu.memory_space<hbm>> -> memref<64x128xf32, #tpu.memory_space<hbm>>
    tpu.enqueue_dma source(%arg12 : memref<64x128xf32, #tpu.memory_space<vmem>>) target(%dma_start3A_205 : memref<64x128xf32, #tpu.memory_space<hbm>>) target_semaphore(%arg36 : memref<!tpu.dma_semaphore, #tpu.memory_space<semaphore_mem>>)
    %dma_wait3A_206 = arith.constant 5 : i32
    %dma_wait3A_207 = arith.constant 0 : i32
    %dma_wait3A_208 = tpu.memref_slice %arg6[%dma_wait3A_206, %dma_wait3A_207] : memref<8x64xi32, #tpu.memory_space<vmem>> -> memref<1x64xi32, #tpu.memory_space<vmem>>
    %dma_wait3A_209 = tpu.memref_squeeze %dma_wait3A_208 : memref<1x64xi32, #tpu.memory_space<vmem>> -> memref<64xi32, #tpu.memory_space<vmem>>
    %dma_wait3A_210 = arith.constant 0 : i32
    %dma_wait3A_211 = arith.constant 0 : i32
    %dma_wait3A_212 = tpu.memref_slice %arg7[%dma_wait3A_210, %dma_wait3A_211] : memref<1000x128xf32, #tpu.memory_space<vmem_shared>> -> memref<1000x128xf32, #tpu.memory_space<vmem_shared>>
    tpu.wait_indirect_dma semaphore(%arg29 : memref<!tpu.dma_semaphore, #tpu.memory_space<semaphore_mem>>) src(%dma_wait3A_212 : memref<1000x128xf32, #tpu.memory_space<vmem_shared>>) dst(%arg13 : memref<64x128xf32, #tpu.memory_space<vmem>>)
    %add3A_213 = arith.constant 320 : i32
    %add3A_214 = arith.addi %mul3A_2, %add3A_213 : i32
    %dma_start3A_215 = arith.constant 0 : i32
    %dma_start3A_216 = tpu.memref_slice %arg5[%add3A_214, %dma_start3A_215] : memref<16384x128xf32, #tpu.memory_space<hbm>> -> memref<64x128xf32, #tpu.memory_space<hbm>>
    %dma_start3A_217 = arith.constant 0 : i32
    %dma_start3A_218 = tpu.memref_slice %arg5[%add3A_214, %dma_start3A_217] : memref<16384x128xf32, #tpu.memory_space<hbm>> -> memref<64x128xf32, #tpu.memory_space<hbm>>
    tpu.enqueue_dma source(%arg13 : memref<64x128xf32, #tpu.memory_space<vmem>>) target(%dma_start3A_218 : memref<64x128xf32, #tpu.memory_space<hbm>>) target_semaphore(%arg37 : memref<!tpu.dma_semaphore, #tpu.memory_space<semaphore_mem>>)
    %dma_wait3A_219 = arith.constant 6 : i32
    %dma_wait3A_220 = arith.constant 0 : i32
    %dma_wait3A_221 = tpu.memref_slice %arg6[%dma_wait3A_219, %dma_wait3A_220] : memref<8x64xi32, #tpu.memory_space<vmem>> -> memref<1x64xi32, #tpu.memory_space<vmem>>
    %dma_wait3A_222 = tpu.memref_squeeze %dma_wait3A_221 : memref<1x64xi32, #tpu.memory_space<vmem>> -> memref<64xi32, #tpu.memory_space<vmem>>
    %dma_wait3A_223 = arith.constant 0 : i32
    %dma_wait3A_224 = arith.constant 0 : i32
    %dma_wait3A_225 = tpu.memref_slice %arg7[%dma_wait3A_223, %dma_wait3A_224] : memref<1000x128xf32, #tpu.memory_space<vmem_shared>> -> memref<1000x128xf32, #tpu.memory_space<vmem_shared>>
    tpu.wait_indirect_dma semaphore(%arg30 : memref<!tpu.dma_semaphore, #tpu.memory_space<semaphore_mem>>) src(%dma_wait3A_225 : memref<1000x128xf32, #tpu.memory_space<vmem_shared>>) dst(%arg14 : memref<64x128xf32, #tpu.memory_space<vmem>>)
    %add3A_226 = arith.constant 384 : i32
    %add3A_227 = arith.addi %mul3A_2, %add3A_226 : i32
    %dma_start3A_228 = arith.constant 0 : i32
    %dma_start3A_229 = tpu.memref_slice %arg5[%add3A_227, %dma_start3A_228] : memref<16384x128xf32, #tpu.memory_space<hbm>> -> memref<64x128xf32, #tpu.memory_space<hbm>>
    %dma_start3A_230 = arith.constant 0 : i32
    %dma_start3A_231 = tpu.memref_slice %arg5[%add3A_227, %dma_start3A_230] : memref<16384x128xf32, #tpu.memory_space<hbm>> -> memref<64x128xf32, #tpu.memory_space<hbm>>
    tpu.enqueue_dma source(%arg14 : memref<64x128xf32, #tpu.memory_space<vmem>>) target(%dma_start3A_231 : memref<64x128xf32, #tpu.memory_space<hbm>>) target_semaphore(%arg38 : memref<!tpu.dma_semaphore, #tpu.memory_space<semaphore_mem>>)
    %dma_wait3A_232 = arith.constant 7 : i32
    %dma_wait3A_233 = arith.constant 0 : i32
    %dma_wait3A_234 = tpu.memref_slice %arg6[%dma_wait3A_232, %dma_wait3A_233] : memref<8x64xi32, #tpu.memory_space<vmem>> -> memref<1x64xi32, #tpu.memory_space<vmem>>
    %dma_wait3A_235 = tpu.memref_squeeze %dma_wait3A_234 : memref<1x64xi32, #tpu.memory_space<vmem>> -> memref<64xi32, #tpu.memory_space<vmem>>
    %dma_wait3A_236 = arith.constant 0 : i32
    %dma_wait3A_237 = arith.constant 0 : i32
    %dma_wait3A_238 = tpu.memref_slice %arg7[%dma_wait3A_236, %dma_wait3A_237] : memref<1000x128xf32, #tpu.memory_space<vmem_shared>> -> memref<1000x128xf32, #tpu.memory_space<vmem_shared>>
    tpu.wait_indirect_dma semaphore(%arg31 : memref<!tpu.dma_semaphore, #tpu.memory_space<semaphore_mem>>) src(%dma_wait3A_238 : memref<1000x128xf32, #tpu.memory_space<vmem_shared>>) dst(%arg15 : memref<64x128xf32, #tpu.memory_space<vmem>>)
    %add3A_239 = arith.constant 448 : i32
    %add3A_240 = arith.addi %mul3A_2, %add3A_239 : i32
    %dma_start3A_241 = arith.constant 0 : i32
    %dma_start3A_242 = tpu.memref_slice %arg5[%add3A_240, %dma_start3A_241] : memref<16384x128xf32, #tpu.memory_space<hbm>> -> memref<64x128xf32, #tpu.memory_space<hbm>>
    %dma_start3A_243 = arith.constant 0 : i32
    %dma_start3A_244 = tpu.memref_slice %arg5[%add3A_240, %dma_start3A_243] : memref<16384x128xf32, #tpu.memory_space<hbm>> -> memref<64x128xf32, #tpu.memory_space<hbm>>
    tpu.enqueue_dma source(%arg15 : memref<64x128xf32, #tpu.memory_space<vmem>>) target(%dma_start3A_244 : memref<64x128xf32, #tpu.memory_space<hbm>>) target_semaphore(%arg39 : memref<!tpu.dma_semaphore, #tpu.memory_space<semaphore_mem>>)
    %dma_wait3A_245 = arith.constant 0 : i32
    %dma_wait3A_246 = tpu.memref_slice %arg5[%add3A_149, %dma_wait3A_245] : memref<16384x128xf32, #tpu.memory_space<hbm>> -> memref<64x128xf32, #tpu.memory_space<hbm>>
    %dma_wait3A_247 = arith.constant 0 : i32
    %dma_wait3A_248 = tpu.memref_slice %arg5[%add3A_149, %dma_wait3A_247] : memref<16384x128xf32, #tpu.memory_space<hbm>> -> memref<64x128xf32, #tpu.memory_space<hbm>>
    tpu.wait_dma2 semaphore(%arg32 : memref<!tpu.dma_semaphore, #tpu.memory_space<semaphore_mem>>) src(%arg8 : memref<64x128xf32, #tpu.memory_space<vmem>>) dst(%dma_wait3A_248 : memref<64x128xf32, #tpu.memory_space<hbm>>)
    %dma_wait3A_249 = arith.constant 0 : i32
    %dma_wait3A_250 = tpu.memref_slice %arg5[%add3A_162, %dma_wait3A_249] : memref<16384x128xf32, #tpu.memory_space<hbm>> -> memref<64x128xf32, #tpu.memory_space<hbm>>
    %dma_wait3A_251 = arith.constant 0 : i32
    %dma_wait3A_252 = tpu.memref_slice %arg5[%add3A_162, %dma_wait3A_251] : memref<16384x128xf32, #tpu.memory_space<hbm>> -> memref<64x128xf32, #tpu.memory_space<hbm>>
    tpu.wait_dma2 semaphore(%arg33 : memref<!tpu.dma_semaphore, #tpu.memory_space<semaphore_mem>>) src(%arg9 : memref<64x128xf32, #tpu.memory_space<vmem>>) dst(%dma_wait3A_252 : memref<64x128xf32, #tpu.memory_space<hbm>>)
    %dma_wait3A_253 = arith.constant 0 : i32
    %dma_wait3A_254 = tpu.memref_slice %arg5[%add3A_175, %dma_wait3A_253] : memref<16384x128xf32, #tpu.memory_space<hbm>> -> memref<64x128xf32, #tpu.memory_space<hbm>>
    %dma_wait3A_255 = arith.constant 0 : i32
    %dma_wait3A_256 = tpu.memref_slice %arg5[%add3A_175, %dma_wait3A_255] : memref<16384x128xf32, #tpu.memory_space<hbm>> -> memref<64x128xf32, #tpu.memory_space<hbm>>
    tpu.wait_dma2 semaphore(%arg34 : memref<!tpu.dma_semaphore, #tpu.memory_space<semaphore_mem>>) src(%arg10 : memref<64x128xf32, #tpu.memory_space<vmem>>) dst(%dma_wait3A_256 : memref<64x128xf32, #tpu.memory_space<hbm>>)
    %dma_wait3A_257 = arith.constant 0 : i32
    %dma_wait3A_258 = tpu.memref_slice %arg5[%add3A_188, %dma_wait3A_257] : memref<16384x128xf32, #tpu.memory_space<hbm>> -> memref<64x128xf32, #tpu.memory_space<hbm>>
    %dma_wait3A_259 = arith.constant 0 : i32
    %dma_wait3A_260 = tpu.memref_slice %arg5[%add3A_188, %dma_wait3A_259] : memref<16384x128xf32, #tpu.memory_space<hbm>> -> memref<64x128xf32, #tpu.memory_space<hbm>>
    tpu.wait_dma2 semaphore(%arg35 : memref<!tpu.dma_semaphore, #tpu.memory_space<semaphore_mem>>) src(%arg11 : memref<64x128xf32, #tpu.memory_space<vmem>>) dst(%dma_wait3A_260 : memref<64x128xf32, #tpu.memory_space<hbm>>)
    %dma_wait3A_261 = arith.constant 0 : i32
    %dma_wait3A_262 = tpu.memref_slice %arg5[%add3A_201, %dma_wait3A_261] : memref<16384x128xf32, #tpu.memory_space<hbm>> -> memref<64x128xf32, #tpu.memory_space<hbm>>
    %dma_wait3A_263 = arith.constant 0 : i32
    %dma_wait3A_264 = tpu.memref_slice %arg5[%add3A_201, %dma_wait3A_263] : memref<16384x128xf32, #tpu.memory_space<hbm>> -> memref<64x128xf32, #tpu.memory_space<hbm>>
    tpu.wait_dma2 semaphore(%arg36 : memref<!tpu.dma_semaphore, #tpu.memory_space<semaphore_mem>>) src(%arg12 : memref<64x128xf32, #tpu.memory_space<vmem>>) dst(%dma_wait3A_264 : memref<64x128xf32, #tpu.memory_space<hbm>>)
    %dma_wait3A_265 = arith.constant 0 : i32
    %dma_wait3A_266 = tpu.memref_slice %arg5[%add3A_214, %dma_wait3A_265] : memref<16384x128xf32, #tpu.memory_space<hbm>> -> memref<64x128xf32, #tpu.memory_space<hbm>>
    %dma_wait3A_267 = arith.constant 0 : i32
    %dma_wait3A_268 = tpu.memref_slice %arg5[%add3A_214, %dma_wait3A_267] : memref<16384x128xf32, #tpu.memory_space<hbm>> -> memref<64x128xf32, #tpu.memory_space<hbm>>
    tpu.wait_dma2 semaphore(%arg37 : memref<!tpu.dma_semaphore, #tpu.memory_space<semaphore_mem>>) src(%arg13 : memref<64x128xf32, #tpu.memory_space<vmem>>) dst(%dma_wait3A_268 : memref<64x128xf32, #tpu.memory_space<hbm>>)
    %dma_wait3A_269 = arith.constant 0 : i32
    %dma_wait3A_270 = tpu.memref_slice %arg5[%add3A_227, %dma_wait3A_269] : memref<16384x128xf32, #tpu.memory_space<hbm>> -> memref<64x128xf32, #tpu.memory_space<hbm>>
    %dma_wait3A_271 = arith.constant 0 : i32
    %dma_wait3A_272 = tpu.memref_slice %arg5[%add3A_227, %dma_wait3A_271] : memref<16384x128xf32, #tpu.memory_space<hbm>> -> memref<64x128xf32, #tpu.memory_space<hbm>>
    tpu.wait_dma2 semaphore(%arg38 : memref<!tpu.dma_semaphore, #tpu.memory_space<semaphore_mem>>) src(%arg14 : memref<64x128xf32, #tpu.memory_space<vmem>>) dst(%dma_wait3A_272 : memref<64x128xf32, #tpu.memory_space<hbm>>)
    %dma_wait3A_273 = arith.constant 0 : i32
    %dma_wait3A_274 = tpu.memref_slice %arg5[%add3A_240, %dma_wait3A_273] : memref<16384x128xf32, #tpu.memory_space<hbm>> -> memref<64x128xf32, #tpu.memory_space<hbm>>
    %dma_wait3A_275 = arith.constant 0 : i32
    %dma_wait3A_276 = tpu.memref_slice %arg5[%add3A_240, %dma_wait3A_275] : memref<16384x128xf32, #tpu.memory_space<hbm>> -> memref<64x128xf32, #tpu.memory_space<hbm>>
    tpu.wait_dma2 semaphore(%arg39 : memref<!tpu.dma_semaphore, #tpu.memory_space<semaphore_mem>>) src(%arg15 : memref<64x128xf32, #tpu.memory_space<vmem>>) dst(%dma_wait3A_276 : memref<64x128xf32, #tpu.memory_space<hbm>>)
    return
  }
}

</mosaic_0001>

<sc_bundles>
// kernel: kernel.3.cloned.1.call-start
scs
__scs_entry_jumppad:
0x0: {  	(pc) =	sbr.rel $0x88, $3  }
0x1: {  	(tag) =	ssettag $0x0;
	lr =	simm.s32 $0x1  }
0x2: {  	[smem:$0x3F9E] =	sst lr;
	_ =	strace $0xD0000000  }
0x3: {  	_ = 	snop  }
0x4: {  	_ = 	snop  }
0x5: {  	_ = 	snop  }
0x6: {  	_ = 	snop  }
0x7: {  	_ = 	snop  }
__scs_overlays_trampoline_lowered:
0x8: {  	[smem:$0x3FAD] =	sst s0  }
0x9: {  	[smem:$0x3FAE] =	sst s1  }
0xa: {  	[smem:$0x3FAF] =	sst s2  }
0xb: {  	[smem:$0x3FB0] =	sst s3  }
0xc: {  	[smem:$0x3FB1] =	sst s4  }
0xd: {  	[smem:$0x3FB2] =	sst s5  }
0xe: {  	[smem:$0x3FB3] =	sst s6  }
0xf: {  	[smem:$0x3FB4] =	sst s7  }
0x10: {  	[smem:$0x3FB5] =	sst s8  }
0x11: {  	[smem:$0x3FB6] =	sst s9;
	s0 =	simm.s32 @!p0 $0x0  }
0x12: {  	s1 =	sld [smem:$0x3F9C];
	s0 =	simm.s32 @p0 $0x1  }
0x13: {  	[smem:$0x3FB7] =	sst s0;
	s0 =	simm.s32 @!p1 $0x0  }
0x14: {  	s2 =	sld [smem:$0x3F9B];
	s0 =	simm.s32 @p1 $0x1  }
0x15: {  	[smem:$0x3FB8] =	sst s0;
	s0 =	simm.s32 @!p2 $0x0  }
0x16: {  	s3 =	sld [smem:$0x3FDB];
	s0 =	simm.s32 @p2 $0x1  }
0x17: {  	s4 =	simm.s32 $0x1BF5;
	[smem:$0x3FBA] =	sst s0  }
0x18: {  	s0 =	sld [smem:$0x3F9D];
	_ =	swait.ge [sflag:s4], $0x0  }
0x19: {  	s7 =	sld [smem:$0x3F9E]  }
0x1a: {  	s8 =	sadd.s32 $0xFFFFE003, lr  }
0x1b: {  	s9 =	sadd.s32 $0xFFFFFEF7, lr;
	s5 =	simm.s32 $0xFFFFFFFF;
	p2 =	slt.u32 s8, $0xFFFFF086  }
0x1c: {  	p1 =	slt.u32 s9, $0xF7A;
	s5 =	simm.s32 @!p2 $0x0  }
0x1d: {  	s5 =	simm.s32 @p1 $0x1;
	p0 =	seq.s32 s7, s2  }
0x1e: {  	s7 =	smul.u32 @!p0 $0xF7A, s2;
	p2 =	seq.s32 @!p0 s5, $0x0  }
0x1f: {  	s9 =	smul.u32 $0xF7A, s1;
	s8 =	simm.s32 @!p0 $0x1BF5;
	p2 =	por !p2, p0  }
0x20: {  	[sflag:s8] =	ssyncset.s32 @!p0 $0xFFFFF086;
	s6 =	sadd.s32 @!p0 s3, s7;
	s7 =	simm.s32 @!p0 $0x108  }
0x21: {  	s3 =	sadd.s32 s3, s9;
	s6 =	sadd.s32 @!p0 $0x88, s6;
	s7 =	simm.s32 @p2 $0x1082  }
0x22: {  	[simem:s7], [sflag:s8] =	dma.local @!p0 [hbm:s6], $0xF7A  }
0x23: {  	s9 =	sor.u32 $0xD0000000, s2;
	s6 =	simm.s32 $0x108;
	_ =	swait.ge @!p0 [sflag:s8], $0x0  }
0x24: {  	s3 =	sadd.s32 $0x88, s3;
	s6 =	simm.s32 @!p1 $0x1082;
	[sflag:s4] =	ssyncset.s32 $0xFFFFF086  }
0x25: {  	[simem:s6], [sflag:s4] =	dma.local [hbm:s3], $0xF7A  }
0x26: {  	[smem:$0x3F9E] =	sst s1;
	(tag) =	ssettag s2;
	_ =	strace s9  }
0x27: {  	s1 =	sld [smem:$0x3FAE]  }
0x28: {  	s2 =	sld [smem:$0x3FAF]  }
0x29: {  	s4 =	sld [smem:$0x3FB1]  }
0x2a: {  	p0 =	seq.s32 s5, $0x0;
	s5 =	sld [smem:$0x3FB2]  }
0x2b: {  	s6 =	sld [smem:$0x3FB3]  }
0x2c: {  	s7 =	sld [smem:$0x3FB4]  }
0x2d: {  	s3 =	simm.s32 $0x108;
	s8 =	sld [smem:$0x3FB5]  }
0x2e: {  	s3 =	simm.s32 @!p0 $0x1082;
	s9 =	sld [smem:$0x3FB6]  }
0x2f: {  	lr =	sadd.s32 s0, s3;
	s0 =	sld [smem:$0x3FAD]  }
0x30: {  	s3 =	sld [smem:$0x3FB0]  }
0x31: {  	[smem:$0x3FB9] =	sst s10  }
0x32: {  	s10 =	sld [smem:$0x3FB7];
	_ =	sdelay $0x3  }
0x33: {  	p0 =	seq.s32 s10, $0x1;
	s10 =	sld [smem:$0x3FB9];
	_ =	sdelay $0x3  }
0x34: {  	[smem:$0x3FB9] =	sst s10  }
0x35: {  	s10 =	sld [smem:$0x3FB8];
	_ =	sdelay $0x3  }
0x36: {  	p1 =	seq.s32 s10, $0x1;
	s10 =	sld [smem:$0x3FB9];
	_ =	sdelay $0x3  }
0x37: {  	[smem:$0x3FB9] =	sst s10  }
0x38: {  	s10 =	sld [smem:$0x3FBA]  }
0x39: {  	_ = 	snop;
	(pc) =	sbr.ind lr, $3  }
0x3a: {  	_ = 	snop  }
0x3b: {  	_ = 	snop  }
0x3c: {  	p2 =	seq.s32 s10, $0x1;
	s10 =	sld [smem:$0x3FB9]  }
0x3d: {  	_ =	shalt  }
0x3e: {  	_ =	shalt  }
0x3f: {  	_ =	shalt  }
0x40: {  	_ =	shalt  }
0x41: {  	_ =	shalt  }
0x42: {  	_ =	shalt  }
0x43: {  	_ =	shalt  }
0x44: {  	_ =	shalt  }
0x45: {  	_ =	shalt  }
0x46: {  	_ =	shalt  }
0x47: {  	_ =	shalt  }
0x48: {  	_ =	shalt  }
0x49: {  	_ =	shalt  }
0x4a: {  	_ =	shalt  }
0x4b: {  	_ =	shalt  }
0x4c: {  	_ =	shalt  }
0x4d: {  	_ =	shalt  }
0x4e: {  	_ =	shalt  }
0x4f: {  	_ =	shalt  }
0x50: {  	_ =	shalt  }
0x51: {  	_ =	shalt  }
0x52: {  	_ =	shalt  }
0x53: {  	_ =	shalt  }
0x54: {  	_ =	shalt  }
0x55: {  	_ =	shalt  }
0x56: {  	_ =	shalt  }
0x57: {  	_ =	shalt  }
0x58: {  	_ =	shalt  }
0x59: {  	_ =	shalt  }
0x5a: {  	_ =	shalt  }
0x5b: {  	_ =	shalt  }
0x5c: {  	_ =	shalt  }
0x5d: {  	_ =	shalt  }
0x5e: {  	_ =	shalt  }
0x5f: {  	_ =	shalt  }
0x60: {  	_ =	shalt  }
0x61: {  	_ =	shalt  }
0x62: {  	_ =	shalt  }
0x63: {  	_ =	shalt  }
0x64: {  	_ =	shalt  }
0x65: {  	_ =	shalt  }
0x66: {  	_ =	shalt  }
0x67: {  	_ =	shalt  }
0x68: {  	_ =	shalt  }
0x69: {  	_ =	shalt  }
0x6a: {  	_ =	shalt  }
0x6b: {  	_ =	shalt  }
0x6c: {  	_ =	shalt  }
0x6d: {  	_ =	shalt  }
0x6e: {  	_ =	shalt  }
0x6f: {  	_ =	shalt  }
0x70: {  	_ =	shalt  }
0x71: {  	_ =	shalt  }
0x72: {  	_ =	shalt  }
0x73: {  	_ =	shalt  }
0x74: {  	_ =	shalt  }
0x75: {  	_ =	shalt  }
0x76: {  	_ =	shalt  }
0x77: {  	_ =	shalt  }
0x78: {  	_ =	shalt  }
0x79: {  	_ =	shalt  }
0x7a: {  	_ =	shalt  }
0x7b: {  	_ =	shalt  }
0x7c: {  	_ =	shalt  }
0x7d: {  	_ =	shalt  }
0x7e: {  	_ =	shalt  }
0x7f: {  	_ =	shalt  }
0x80: {  	_ =	shalt  }
0x81: {  	_ =	shalt  }
0x82: {  	_ =	shalt  }
0x83: {  	_ =	shalt  }
0x84: {  	_ =	shalt  }
0x85: {  	_ =	shalt  }
0x86: {  	_ =	shalt  }
0x87: {  	_ =	shalt  }
.Lfunc_end0:
.L_simem_size_0:
called_computation_lowered:
.L_overlay_start_0:
0x88: {  	s2 =	sld [smem:$0x3FD9]  }
0x89: {  	s3 =	sld [smem:$0x3FFE];
	_ =	sdelay $0x1  }
0x8a: {  	s1 =	srdreg.scid  }
0x8b: {  	s0 =	sand.u32 $0x1, s1  }
0x8c: {  	s17 =	sshll.u32 s0, $0xA;
	s2 =	sadd.s32 s3, s2  }
0x8d: {  	s2 =	sadd.s32 s2, s17  }
0x8e: {  	[smem:$0x3FC5] =	sst s2  }
0x8f: {  	_ = 	snop  }
0x90: {  	s2 =	sld [smem:$0x3FC9]  }
0x91: {  	s18 =	sld [smem:$0x3FC7]  }
0x92: {  	s4 =	sld [smem:$0x3FD0];
	(tm) =	ssettm $0x1  }
0x93: {  	s5 =	sld [smem:$0x3FFB];
	_ =	sdelay $0x3  }
0x94: {  	_ =	strace s5  }
0x95: {  	s5 =	sld [smem:$0x3FFC];
	_ =	sdelay $0x3  }
0x96: {  	_ =	strace s5  }
0x97: {  	s5 =	sld [smem:$0x3FFD];
	_ =	sdelay $0x3  }
0x98: {  	_ =	strace s5  }
0x99: {  	_ =	strace $0x8FFFFFFF  }
0x9a: {  	s19 =	sld [smem:$0x3FDB];
	_ =	sdelay $0x1  }
0x9b: {  	s6 =	simm.s32 $_scs_section_size  }
0x9c: {  	s7 =	simm.s32 $_size__tile_overlayer_lowered;
	s8 =	simm.s32 $_tile_overlayer_lowered  }
0x9d: {  	s22 =	simm.s32 $0x1BFF;
	s21 =	sshll.u32 s8, $0x1;
	s5 =	sadd.s32 s6, s19  }
0x9e: {  	s9 =	simm.s32 $0x0;
	s20 =	sshll.u32 s7, $0x1;
	s7 =	sadd.s32 s21, s5  }
0x9f: {  	[timem:s9], [sflag:s22] =	dma.local [hbm:s7], s20  }
0xa0: {  	_ =	swait.ge [sflag:s22], s20  }
0xa1: {  	s6 =	ssub.s32 $0x0, s20;
	[sflag:s22] =	ssyncset.done $0x0  }
0xa2: {  	[sflag:s22] =	ssyncadd.s32 s6;
	_ =	sdelay $0x1  }
0xa3: {  	s23 =	simm.s32 $0x1B8B  }
0xa4: {  	_ =	swait.ge [sflag:s23], $0x1  }
0xa5: {  	[sflag:s23] =	ssyncset.done $0x0  }
0xa6: {  	s25 =	simm.s32 $0x1B8E;
	s24 =	sld [smem:$0x3FFE];
	[sflag:s23] =	ssyncadd.s32 $0xFFFFFFFF  }
0xa7: {  	s26 =	simm.s32 $execute0_lowered;
	[smem:$0x3FD2] =	sst s25  }
0xa8: {  	s7 =	sshll.u32 s26, $0x1;
	_ =	strace $0x80000046;
	[dreg:$0x1] =	wrdreg $0xFFFFFFFF  }
0xa9: {  	s28 =	simm.s32 $_size_execute0_lowered;
	s5 =	sadd.s32 s5, s7;
	[dreg:$0x0] =	wrdreg $0x0  }
0xaa: {  	s7 =	sshll.u32 s28, $0x1;
	[dreg:$0x2] =	wrdreg s5  }
0xab: {  	[dreg:$0x3] =	wrdreg s7  }
0xac: {  	[dreg:$0x4] =	wrdreg $0xC0  }
0xad: {  	_ =	task [dreg:s9], $0x5FFFF  }
0xae: {  	[dreg:$0x1] =	wrdreg $0xFFFFFFFF  }
0xaf: {  	[dreg:$0x0] =	wrdreg $0x60  }
0xb0: {  	[dreg:$0x2] =	wrdreg s2  }
0xb1: {  	[dreg:$0x3] =	wrdreg s24  }
0xb2: {  	[dreg:$0x4] =	wrdreg s18  }
0xb3: {  	[dreg:$0x5] =	wrdreg s4  }
0xb4: {  	[dreg:$0x6] =	wrdreg $0x4000  }
0xb5: {  	[dreg:$0x7] =	wrdreg $0x9  }
0xb6: {  	_ =	task.clear_ibuf [dreg:s9], $0x8FFFF;
	_ =	strace $0x90000046  }
0xb7: {  	s29 =	simm.s32 $0x9;
	_ =	strace $0x80000048  }
0xb8: {  	_ =	swait.ge [sflag:s29], $0x1  }
0xb9: {  	[sflag:s29] =	ssyncadd.s32 $0xFFFFFFFF  }
0xba: {  	_ =	strace $0x90000048  }
0xbb: {  	_ =	sfence  }
0xbc: {  	s30 =	sld [smem:$0x0];
	_ =	sdelay $0x2  }
0xbd: {  	s31 =	sshll.u32 s1, $0xD;
	s1 =	sshrl.u32 s1, $0x2  }
0xbe: {  	s3 =	sand.u32 $0x4000, s31;
	s1 =	sadd.s32 s1, s30  }
0xbf: {  	s0 =	sor.u32 s3, s0;
	s1 =	sshll.u32 s1, $0x11  }
0xc0: {  	s0 =	sor.u32 s1, s0  }
0xc1: {  	s0 =	sadd.s32 $0x8F2B, s0  }
0xc2: {  	[sflag:s0] =	ssyncadd.remote.s32 $0x1  }
0xc3: {  	_ =	sfence.sel $0xFFFF  }
0xc4: {  	[dreg:$0x0] =	wrdreg $0xFFFFFFFF;
	(pc) =	sbr.abs _section_cstart, $3  }
0xc5: {  	[dreg:$0x1] =	wrdreg $0xFFFFFFFF  }
0xc6: {  	_ =	task.clear_ibuf [dreg:s9], $0x2FFFF;
	_ =	strace $0x9FFFFFFF  }
0xc7: {  	(tm) =	ssettm $0x7FFFFFFF  }
tec
execute0_lowered:
.L_overlay_start_1:
0x0: {  	(tag) =	ssettag $0x1  }
0x1: {  	s0 =	rddreg [dreg:$0x0]  }
0x2: {  	s3 =	rddreg [dreg:$0x1]  }
0x3: {  	s1 =	rddreg [dreg:$0x2]  }
0x4: {  	s4 =	rddreg [dreg:$0x3]  }
0x5: {  	s2 =	rddreg [dreg:$0x4];
	s5 =	srdreg.scid  }
0x6: {  	s6 =	stileid.u32;
	s19 =	simm.s32 $0x80;
	[dreg:$0x6] =	wrdreg s1  }
0x7: {  	s1 =	simm.s32 $0x0;
	s5 =	sand.u32 $0x1, s5;
	s7 =	sshll.u32 s6, $0x1  }
0x8: {  	s20 =	simm.s32 $0x100;
	[smem:$0x7FF] =	sst s1;
	s7 =	sor.u32 s5, s7  }
0x9: {  	_ =	strace $0x80000047;
	s8 =	sshll.u32 s7, $0xD;
	[dreg:$0x18] =	wrdreg s19  }
0xa: {  	[dreg:$0x19] =	wrdreg s20;
	s9 =	sadd.s32 s0, s8  }
0xb: {  	s10 =	sor.u32 $0x400, s8;
	s11 =	sor.u32 $0x800, s8;
	s12 =	sor.u32 $0xC00, s8  }
0xc: {  	s13 =	sor.u32 $0x1000, s8;
	s14 =	sor.u32 $0x1400, s8;
	s15 =	sor.u32 $0x1800, s8  }
0xd: {  	s16 =	sor.u32 $0x1C00, s8;
	s8 =	sadd.s32 s4, s8;
	[dreg:$0x7] =	wrdreg s9  }
0xe: {  	s21 =	sadd.s32 s0, s10;
	[dreg:$0x10] =	wrdreg s8  }
0xf: {  	s22 =	sadd.s32 s0, s11;
	[dreg:$0x8] =	wrdreg s21  }
0x10: {  	s23 =	sadd.s32 s0, s12;
	[dreg:$0x9] =	wrdreg s22  }
0x11: {  	p1 =	por $0x0, $0x0;
	s24 =	sadd.s32 s0, s13;
	[dreg:$0xa] =	wrdreg s23  }
0x12: {  	s31 =	simm.s32 $0xE;
	s25 =	sadd.s32 s0, s14;
	[dreg:$0xb] =	wrdreg s24  }
0x13: {  	s7 =	sshll.u32 s7, $0x7;
	s26 =	sadd.s32 s0, s15;
	[dreg:$0xc] =	wrdreg s25  }
0x14: {  	s3 =	sadd.s32 s7, s3;
	s0 =	sadd.s32 s0, s16;
	[dreg:$0xd] =	wrdreg s26  }
0x15: {  	s30 =	simm.s32 $0xF;
	s7 =	sadd.s32 $0x400, s3;
	[dreg:$0xe] =	wrdreg s0  }
0x16: {  	s29 =	simm.s32 $0x10;
	s9 =	sadd.s32 s4, s10;
	[dreg:$0xf] =	wrdreg s7  }
0x17: {  	s28 =	simm.s32 $0x11;
	s10 =	sadd.s32 s4, s11;
	[dreg:$0x11] =	wrdreg s9  }
0x18: {  	p0 =	sne.s32 s6, $0x0;
	s11 =	sadd.s32 s4, s12;
	[dreg:$0x12] =	wrdreg s10  }
0x19: {  	s19 =	simm.s32 $0x16;
	s12 =	sadd.s32 s4, s13;
	[dreg:$0x13] =	wrdreg s11  }
0x1a: {  	s20 =	sshrl.u32 @!p0 s2, $0x3;
	s14 =	sadd.s32 s4, s14;
	[dreg:$0x14] =	wrdreg s12  }
0x1b: {  	s13 =	ssub.s32 $0x2, s5;
	s15 =	sadd.s32 s4, s15;
	[dreg:$0x15] =	wrdreg s14  }
0x1c: {  	s17 =	sadd.s32 s4, s16;
	s4 =	simm.s32 $0xB;
	[dreg:$0x16] =	wrdreg s15  }
0x1d: {  	s16 =	simm.s32 $0x18;
	s5 =	sshrl.u32 s13, $0x1;
	[dreg:$0x17] =	wrdreg s17  }
0x1e: {  	s15 =	simm.s32 $0x8340;
	s14 =	simm.s32 $0xA340;
	s12 =	simm.s32 $0xE340  }
0x1f: {  	s11 =	simm.s32 $0x10340;
	s21 =	simm.s32 $0x40;
	s3 =	ssub.s32 s13, s5  }
0x20: {  	s22 =	simm.s32 $0x180;
	s10 =	rddreg [dreg:$0x7];
	s18 =	smax.u32 s3, $0x1  }
0x21: {  	s23 =	simm.s32 $0x200;
	[dreg:$0x1a] =	wrdreg s22;
	s9 =	sadd.s32 $0xFFFFFFFF, s18  }
0x22: {  	s24 =	simm.s32 $0x280;
	[dreg:$0x1b] =	wrdreg s23;
	p2 =	sne.s32 s9, $0x0  }
.Ltmp0:
0x23: {  	s25 =	simm.s32 $0x300;
	[dreg:$0x1c] =	wrdreg s24;
	(pc) =	sbr.rel @!p2 .LBB2_5-.Ltmp0, $4  }
0x24: {  	s26 =	simm.s32 $0x380;
	s0 =	simm.s32 $0xD;
	[dreg:$0x1d] =	wrdreg s25  }
0x25: {  	s13 =	simm.s32 $0xC340;
	[dreg:$0x1e] =	wrdreg s26;
	s5 =	simm.s32 $0xA  }
0x26: {  	s26 =	simm.s32 $0x12;
	s25 =	simm.s32 $0x13;
	s23 =	simm.s32 $0x14  }
0x27: {  	s22 =	simm.s32 $0x15;
	s3 =	simm.s32 $0xC;
	s18 =	simm.s32 $0x17  }
0x28: {  	s6 =	smov.u32 s20;
	s20 =	simm.s32 $0x2340  }
0x29: {  	[tilespmem:s20], [sflag:$0x1] =	stream.linear.gather [hbm4b:s10+s1], $0x2000, $0x38;
	[tilespmem:$0x12340] =	vst v63  }
0x2a: {  	s8 =	rddreg [dreg:$0x8];
	s17 =	simm.s32 $0x4340  }
0x2b: {  	[tilespmem:s17], [sflag:$0x2] =	stream.linear.gather [hbm4b:s8+s1], $0x2000, $0x38;
	[tilespmem:$0x12340] =	vst v63  }
0x2c: {  	s7 =	rddreg [dreg:$0x9];
	s24 =	simm.s32 $0x6340  }
0x2d: {  	[tilespmem:s24], [sflag:$0x3] =	stream.linear.gather [hbm4b:s7+s1], $0x2000, $0x38;
	[tilespmem:$0x12340] =	vst v63  }
0x2e: {  	s8 =	rddreg [dreg:$0xa]  }
0x2f: {  	[tilespmem:s15], [sflag:$0x4] =	stream.linear.gather [hbm4b:s8+s1], $0x2000, $0x38;
	[tilespmem:$0x12340] =	vst v63  }
0x30: {  	s7 =	rddreg [dreg:$0xb]  }
0x31: {  	[tilespmem:s14], [sflag:$0x5] =	stream.linear.gather [hbm4b:s7+s1], $0x2000, $0x38;
	[tilespmem:$0x12340] =	vst v63  }
0x32: {  	s8 =	rddreg [dreg:$0xc]  }
0x33: {  	[tilespmem:s13], [sflag:$0x6] =	stream.linear.gather [hbm4b:s8+s1], $0x2000, $0x38;
	[tilespmem:$0x12340] =	vst v63  }
0x34: {  	s7 =	rddreg [dreg:$0xd]  }
0x35: {  	[tilespmem:s12], [sflag:$0x7] =	stream.linear.gather [hbm4b:s7+s1], $0x2000, $0x38;
	[tilespmem:$0x12340] =	vst v63  }
0x36: {  	s8 =	rddreg [dreg:$0xe]  }
0x37: {  	[tilespmem:s11], [sflag:$0x8] =	stream.linear.gather [hbm4b:s8+s1], $0x2000, $0x38;
	[tilespmem:$0x12340] =	vst v63  }
0x38: {  	s7 =	rddreg [dreg:$0xf]  }
0x39: {  	[tilespmem:s1], [sflag:$0x19] =	stream.linear.gather [hbm4b:s7+s1], $0x400, $0x38;
	[tilespmem:$0x12340] =	vst v63  }
0x3a: {  	s7 =	simm.s32 $0x19  }
0x3b: {  	_ =	swait.ge [sflag:s7], $0x400  }
0x3c: {  	s8 =	simm.s32 @!p0 $0x19;
	[dreg:$0x1f] =	wrdreg s6;
	[sflag:s7] =	ssyncset.done $0x0  }
0x3d: {  	s10 =	rddreg [dreg:$0x6];
	[sflag:s7] =	ssyncadd.s32 $0xFFFFFC00;
	s7 =	simm.s32 @!p0 $0x1C19  }
0x3e: {  	[spmem:s6], [sflag:s7] =	dma.local @!p0 [hbm:s10], $0x3E80  }
0x3f: {  	_ =	swait.ge @!p0 [sflag:s8], $0x3E80  }
0x40: {  	[sflag:s8] =	ssyncset.done @!p0 $0x0  }
0x41: {  	[sflag:s8] =	ssyncadd.s32 @!p0 $0xFFFFC180  }
0x42: {  	s7 =	simm.s32 $0x1;
	[bflag:$0x0] =	sbarrier.arrive $0xFFFF  }
0x43: {  	_ =	swait.ge [sflag:s7], $0x2000  }
0x44: {  	[sflag:s7] =	ssyncset.done $0x0  }
0x45: {  	s10 =	simm.s32 $0x2;
	[sflag:s7] =	ssyncadd.s32 $0xFFFFE000  }
0x46: {  	[tilespmem:s20], [sflag:$0x9] =	stream.indirect.gather.add.f32 [spmem:s2], $0x80, s1, s21, $0xb8;
	[tilespmem:$0x12340] =	vst v63  }
0x47: {  	_ =	swait.ge [sflag:s10], $0x2000  }
0x48: {  	[sflag:s10] =	ssyncset.done $0x0  }
0x49: {  	s7 =	rddreg [dreg:$0x18];
	[sflag:s10] =	ssyncadd.s32 $0xFFFFE000;
	s10 =	simm.s32 $0x3  }
0x4a: {  	[tilespmem:s17], [sflag:$0xA] =	stream.indirect.gather.add.f32 [spmem:s2], $0x80, s7, s21, $0xb8;
	[tilespmem:$0x12340] =	vst v63  }
0x4b: {  	_ =	swait.ge [sflag:s10], $0x2000  }
0x4c: {  	[sflag:s10] =	ssyncset.done $0x0  }
0x4d: {  	s7 =	rddreg [dreg:$0x19];
	[sflag:s10] =	ssyncadd.s32 $0xFFFFE000;
	s10 =	simm.s32 $0x4  }
0x4e: {  	[tilespmem:s24], [sflag:$0xB] =	stream.indirect.gather.add.f32 [spmem:s2], $0x80, s7, s21, $0xb8;
	[tilespmem:$0x12340] =	vst v63  }
0x4f: {  	_ =	swait.ge [sflag:s10], $0x2000  }
0x50: {  	[sflag:s10] =	ssyncset.done $0x0  }
0x51: {  	s7 =	rddreg [dreg:$0x1a];
	[sflag:s10] =	ssyncadd.s32 $0xFFFFE000;
	s10 =	simm.s32 $0x5  }
0x52: {  	[tilespmem:s15], [sflag:$0xC] =	stream.indirect.gather.add.f32 [spmem:s2], $0x80, s7, s21, $0xb8;
	[tilespmem:$0x12340] =	vst v63  }
0x53: {  	_ =	swait.ge [sflag:s10], $0x2000  }
0x54: {  	[sflag:s10] =	ssyncset.done $0x0  }
0x55: {  	s7 =	rddreg [dreg:$0x1b];
	[sflag:s10] =	ssyncadd.s32 $0xFFFFE000;
	s10 =	simm.s32 $0x6  }
0x56: {  	[tilespmem:s14], [sflag:$0xD] =	stream.indirect.gather.add.f32 [spmem:s2], $0x80, s7, s21, $0xb8;
	[tilespmem:$0x12340] =	vst v63  }
0x57: {  	_ =	swait.ge [sflag:s10], $0x2000  }
0x58: {  	[sflag:s10] =	ssyncset.done $0x0  }
0x59: {  	s7 =	rddreg [dreg:$0x1c];
	[sflag:s10] =	ssyncadd.s32 $0xFFFFE000;
	s10 =	simm.s32 $0x7  }
0x5a: {  	[tilespmem:s13], [sflag:$0xE] =	stream.indirect.gather.add.f32 [spmem:s2], $0x80, s7, s21, $0xb8;
	[tilespmem:$0x12340] =	vst v63  }
0x5b: {  	_ =	swait.ge [sflag:s10], $0x2000  }
0x5c: {  	[sflag:s10] =	ssyncset.done $0x0  }
0x5d: {  	s7 =	rddreg [dreg:$0x1d];
	[sflag:s10] =	ssyncadd.s32 $0xFFFFE000;
	s10 =	simm.s32 $0x8  }
0x5e: {  	[tilespmem:s12], [sflag:$0xF] =	stream.indirect.gather.add.f32 [spmem:s2], $0x80, s7, s21, $0xb8;
	[tilespmem:$0x12340] =	vst v63  }
0x5f: {  	_ =	swait.ge [sflag:s10], $0x2000  }
0x60: {  	[sflag:s10] =	ssyncset.done $0x0  }
0x61: {  	s7 =	rddreg [dreg:$0x1e];
	[sflag:s10] =	ssyncadd.s32 $0xFFFFE000;
	s10 =	simm.s32 $0x9  }
0x62: {  	[tilespmem:s11], [sflag:$0x10] =	stream.indirect.gather.add.f32 [spmem:s2], $0x80, s7, s21, $0xb8;
	[tilespmem:$0x12340] =	vst v63  }
0x63: {  	_ =	swait.ge [sflag:s10], $0x2000  }
0x64: {  	[sflag:s10] =	ssyncset.done $0x0  }
0x65: {  	s7 =	rddreg [dreg:$0x10];
	[sflag:s10] =	ssyncadd.s32 $0xFFFFE000  }
0x66: {  	[hbm4b:s7+s1] =	stream.linear.scatter [tilespmem:s20], [sflag:$0x11], $0x2000, $0x38;
	[tilespmem:$0x12340] =	vst v63  }
0x67: {  	_ =	swait.ge [sflag:s5], $0x2000  }
0x68: {  	[sflag:s5] =	ssyncset.done $0x0  }
0x69: {  	s7 =	rddreg [dreg:$0x11];
	[sflag:s5] =	ssyncadd.s32 $0xFFFFE000  }
0x6a: {  	[hbm4b:s7+s1] =	stream.linear.scatter [tilespmem:s17], [sflag:$0x12], $0x2000, $0x38;
	[tilespmem:$0x12340] =	vst v63  }
0x6b: {  	_ =	swait.ge [sflag:s4], $0x2000  }
0x6c: {  	[sflag:s4] =	ssyncset.done $0x0  }
0x6d: {  	s20 =	rddreg [dreg:$0x12];
	[sflag:s4] =	ssyncadd.s32 $0xFFFFE000  }
0x6e: {  	[hbm4b:s20+s1] =	stream.linear.scatter [tilespmem:s24], [sflag:$0x13], $0x2000, $0x38;
	[tilespmem:$0x12340] =	vst v63  }
0x6f: {  	_ =	swait.ge [sflag:s3], $0x2000  }
0x70: {  	[sflag:s3] =	ssyncset.done $0x0  }
0x71: {  	s6 =	rddreg [dreg:$0x13];
	[sflag:s3] =	ssyncadd.s32 $0xFFFFE000  }
0x72: {  	[hbm4b:s6+s1] =	stream.linear.scatter [tilespmem:s15], [sflag:$0x14], $0x2000, $0x38;
	[tilespmem:$0x12340] =	vst v63  }
0x73: {  	_ =	swait.ge [sflag:s0], $0x2000  }
0x74: {  	[sflag:s0] =	ssyncset.done $0x0  }
0x75: {  	s7 =	rddreg [dreg:$0x14];
	[sflag:s0] =	ssyncadd.s32 $0xFFFFE000  }
0x76: {  	[hbm4b:s7+s1] =	stream.linear.scatter [tilespmem:s14], [sflag:$0x15], $0x2000, $0x38;
	[tilespmem:$0x12340] =	vst v63  }
0x77: {  	_ =	swait.ge [sflag:s31], $0x2000  }
0x78: {  	[sflag:s31] =	ssyncset.done $0x0  }
0x79: {  	s17 =	rddreg [dreg:$0x15];
	[sflag:s31] =	ssyncadd.s32 $0xFFFFE000  }
0x7a: {  	[hbm4b:s17+s1] =	stream.linear.scatter [tilespmem:s13], [sflag:$0x16], $0x2000, $0x38;
	[tilespmem:$0x12340] =	vst v63  }
0x7b: {  	_ =	swait.ge [sflag:s30], $0x2000  }
0x7c: {  	[sflag:s30] =	ssyncset.done $0x0  }
0x7d: {  	s20 =	rddreg [dreg:$0x16];
	[sflag:s30] =	ssyncadd.s32 $0xFFFFE000  }
0x7e: {  	[hbm4b:s20+s1] =	stream.linear.scatter [tilespmem:s12], [sflag:$0x17], $0x2000, $0x38;
	[tilespmem:$0x12340] =	vst v63  }
0x7f: {  	_ =	swait.ge [sflag:s29], $0x2000  }
0x80: {  	[sflag:s29] =	ssyncset.done $0x0  }
0x81: {  	s24 =	rddreg [dreg:$0x17];
	[sflag:s29] =	ssyncadd.s32 $0xFFFFE000  }
0x82: {  	[hbm4b:s24+s1] =	stream.linear.scatter [tilespmem:s11], [sflag:$0x18], $0x2000, $0x38;
	[tilespmem:$0x12340] =	vst v63  }
0x83: {  	_ =	swait.ge [sflag:s28], $0x2000  }
0x84: {  	[sflag:s28] =	ssyncset.done $0x0  }
0x85: {  	[sflag:s28] =	ssyncadd.s32 $0xFFFFE000  }
0x86: {  	_ =	swait.ge [sflag:s26], $0x2000  }
0x87: {  	[sflag:s26] =	ssyncset.done $0x0  }
0x88: {  	[sflag:s26] =	ssyncadd.s32 $0xFFFFE000  }
0x89: {  	_ =	swait.ge [sflag:s25], $0x2000  }
0x8a: {  	[sflag:s25] =	ssyncset.done $0x0  }
0x8b: {  	[sflag:s25] =	ssyncadd.s32 $0xFFFFE000  }
0x8c: {  	_ =	swait.ge [sflag:s23], $0x2000  }
0x8d: {  	[sflag:s23] =	ssyncset.done $0x0  }
0x8e: {  	[sflag:s23] =	ssyncadd.s32 $0xFFFFE000  }
0x8f: {  	_ =	swait.ge [sflag:s22], $0x2000  }
0x90: {  	[sflag:s22] =	ssyncset.done $0x0  }
0x91: {  	[sflag:s22] =	ssyncadd.s32 $0xFFFFE000  }
0x92: {  	_ =	swait.ge [sflag:s19], $0x2000  }
0x93: {  	s9 =	sadd.s32 $0xFFFFFFFF, s9;
	[sflag:s19] =	ssyncset.done $0x0  }
0x94: {  	p2 =	sne.s32 s9, $0x0;
	[sflag:s19] =	ssyncadd.s32 $0xFFFFE000  }
.Ltmp1:
0x95: {  	_ =	swait.ge [sflag:s18], $0x2000;
	(pc) =	sbr.rel @!p2 .LBB2_6-.Ltmp1, $4  }
0x96: {  	[sflag:s18] =	ssyncset.done $0x0  }
0x97: {  	[sflag:s18] =	ssyncadd.s32 $0xFFFFE000  }
0x98: {  	_ =	swait.ge [sflag:s16], $0x2000  }
0x99: {  	p1 =	por $0x1, $0x1;
	s10 =	rddreg [dreg:$0x7];
	[sflag:s16] =	ssyncset.done $0x0  }
0x9a: {  	s20 =	simm.s32 $0x2340;
	s17 =	simm.s32 $0x4340;
	s24 =	simm.s32 $0x6340  }
.LBB2_3:
0x9b: {  	[sflag:s16] =	ssyncadd.s32 $0xFFFFE000  }
0x9c: {  	[tilespmem:s20], [sflag:$0x1] =	stream.linear.gather [hbm4b:s10+s1], $0x2000, $0x38;
	[tilespmem:$0x12340] =	vst v63  }
0x9d: {  	s11 =	rddreg [dreg:$0x8]  }
0x9e: {  	[tilespmem:s17], [sflag:$0x2] =	stream.linear.gather [hbm4b:s11+s1], $0x2000, $0x38;
	[tilespmem:$0x12340] =	vst v63  }
0x9f: {  	s6 =	rddreg [dreg:$0x9]  }
0xa0: {  	[tilespmem:s24], [sflag:$0x3] =	stream.linear.gather [hbm4b:s6+s1], $0x2000, $0x38;
	[tilespmem:$0x12340] =	vst v63  }
0xa1: {  	s16 =	simm.s32 $0x8340;
	s7 =	rddreg [dreg:$0xa]  }
0xa2: {  	[tilespmem:s16], [sflag:$0x4] =	stream.linear.gather [hbm4b:s7+s1], $0x2000, $0x38;
	[tilespmem:$0x12340] =	vst v63  }
0xa3: {  	s15 =	simm.s32 $0xA340;
	s6 =	rddreg [dreg:$0xb]  }
0xa4: {  	[tilespmem:s15], [sflag:$0x5] =	stream.linear.gather [hbm4b:s6+s1], $0x2000, $0x38;
	[tilespmem:$0x12340] =	vst v63  }
0xa5: {  	s14 =	simm.s32 $0xC340;
	s7 =	rddreg [dreg:$0xc]  }
0xa6: {  	[tilespmem:s14], [sflag:$0x6] =	stream.linear.gather [hbm4b:s7+s1], $0x2000, $0x38;
	[tilespmem:$0x12340] =	vst v63  }
0xa7: {  	s13 =	simm.s32 $0xE340;
	s6 =	rddreg [dreg:$0xd]  }
0xa8: {  	[tilespmem:s13], [sflag:$0x7] =	stream.linear.gather [hbm4b:s6+s1], $0x2000, $0x38;
	[tilespmem:$0x12340] =	vst v63  }
0xa9: {  	s12 =	simm.s32 $0x10340;
	s7 =	rddreg [dreg:$0xe]  }
0xaa: {  	[tilespmem:s12], [sflag:$0x8] =	stream.linear.gather [hbm4b:s7+s1], $0x2000, $0x38;
	[tilespmem:$0x12340] =	vst v63  }
0xab: {  	s6 =	rddreg [dreg:$0xf]  }
0xac: {  	[tilespmem:s1], [sflag:$0x19] =	stream.linear.gather [hbm4b:s6+s1], $0x400, $0x38;
	[tilespmem:$0x12340] =	vst v63  }
0xad: {  	s6 =	simm.s32 $0x19  }
0xae: {  	_ =	swait.ge [sflag:s6], $0x400  }
0xaf: {  	[sflag:s6] =	ssyncset.done $0x0;
	s10 =	rddreg [dreg:$0x6]  }
0xb0: {  	s7 =	simm.s32 @!p0 $0x1C19;
	[sflag:s6] =	ssyncadd.s32 $0xFFFFFC00;
	s6 =	rddreg [dreg:$0x1f]  }
0xb1: {  	[spmem:s6], [sflag:s7] =	dma.local @!p0 [hbm:s10], $0x3E80  }
0xb2: {  	_ =	swait.ge @!p0 [sflag:s8], $0x3E80  }
0xb3: {  	[sflag:s8] =	ssyncset.done @!p0 $0x0  }
0xb4: {  	[sflag:s8] =	ssyncadd.s32 @!p0 $0xFFFFC180  }
0xb5: {  	s7 =	simm.s32 $0x1;
	[bflag:$0x0] =	sbarrier.arrive $0xFFFF  }
0xb6: {  	_ =	swait.ge [sflag:s7], $0x2000  }
0xb7: {  	[sflag:s7] =	ssyncset.done $0x0  }
0xb8: {  	s10 =	simm.s32 $0x2;
	[sflag:s7] =	ssyncadd.s32 $0xFFFFE000  }
0xb9: {  	[tilespmem:s20], [sflag:$0x9] =	stream.indirect.gather.add.f32 [spmem:s2], $0x80, s1, s21, $0xb8;
	[tilespmem:$0x12340] =	vst v63  }
0xba: {  	_ =	swait.ge [sflag:s10], $0x2000  }
0xbb: {  	[sflag:s10] =	ssyncset.done $0x0  }
0xbc: {  	s7 =	rddreg [dreg:$0x18];
	[sflag:s10] =	ssyncadd.s32 $0xFFFFE000;
	s10 =	simm.s32 $0x3  }
0xbd: {  	[tilespmem:s17], [sflag:$0xA] =	stream.indirect.gather.add.f32 [spmem:s2], $0x80, s7, s21, $0xb8;
	[tilespmem:$0x12340] =	vst v63  }
0xbe: {  	_ =	swait.ge [sflag:s10], $0x2000  }
0xbf: {  	[sflag:s10] =	ssyncset.done $0x0  }
0xc0: {  	s7 =	rddreg [dreg:$0x19];
	[sflag:s10] =	ssyncadd.s32 $0xFFFFE000;
	s10 =	simm.s32 $0x4  }
0xc1: {  	[tilespmem:s24], [sflag:$0xB] =	stream.indirect.gather.add.f32 [spmem:s2], $0x80, s7, s21, $0xb8;
	[tilespmem:$0x12340] =	vst v63  }
0xc2: {  	_ =	swait.ge [sflag:s10], $0x2000  }
0xc3: {  	s15 =	simm.s32 $0x8340;
	[sflag:s10] =	ssyncset.done $0x0  }
0xc4: {  	s7 =	rddreg [dreg:$0x1a];
	[sflag:s10] =	ssyncadd.s32 $0xFFFFE000;
	s10 =	simm.s32 $0x5  }
0xc5: {  	[tilespmem:s15], [sflag:$0xC] =	stream.indirect.gather.add.f32 [spmem:s2], $0x80, s7, s21, $0xb8;
	[tilespmem:$0x12340] =	vst v63  }
0xc6: {  	_ =	swait.ge [sflag:s10], $0x2000  }
0xc7: {  	s14 =	simm.s32 $0xA340;
	[sflag:s10] =	ssyncset.done $0x0  }
0xc8: {  	s7 =	rddreg [dreg:$0x1b];
	[sflag:s10] =	ssyncadd.s32 $0xFFFFE000;
	s10 =	simm.s32 $0x6  }
0xc9: {  	[tilespmem:s14], [sflag:$0xD] =	stream.indirect.gather.add.f32 [spmem:s2], $0x80, s7, s21, $0xb8;
	[tilespmem:$0x12340] =	vst v63  }
0xca: {  	_ =	swait.ge [sflag:s10], $0x2000  }
0xcb: {  	s13 =	simm.s32 $0xC340;
	[sflag:s10] =	ssyncset.done $0x0  }
0xcc: {  	s7 =	rddreg [dreg:$0x1c];
	[sflag:s10] =	ssyncadd.s32 $0xFFFFE000;
	s10 =	simm.s32 $0x7  }
0xcd: {  	[tilespmem:s13], [sflag:$0xE] =	stream.indirect.gather.add.f32 [spmem:s2], $0x80, s7, s21, $0xb8;
	[tilespmem:$0x12340] =	vst v63  }
0xce: {  	_ =	swait.ge [sflag:s10], $0x2000  }
0xcf: {  	s12 =	simm.s32 $0xE340;
	[sflag:s10] =	ssyncset.done $0x0  }
0xd0: {  	s7 =	rddreg [dreg:$0x1d];
	[sflag:s10] =	ssyncadd.s32 $0xFFFFE000;
	s10 =	simm.s32 $0x8  }
0xd1: {  	[tilespmem:s12], [sflag:$0xF] =	stream.indirect.gather.add.f32 [spmem:s2], $0x80, s7, s21, $0xb8;
	[tilespmem:$0x12340] =	vst v63  }
0xd2: {  	_ =	swait.ge [sflag:s10], $0x2000  }
0xd3: {  	s11 =	simm.s32 $0x10340;
	[sflag:s10] =	ssyncset.done $0x0  }
0xd4: {  	s7 =	rddreg [dreg:$0x1e];
	[sflag:s10] =	ssyncadd.s32 $0xFFFFE000;
	s10 =	simm.s32 $0x9  }
0xd5: {  	[tilespmem:s11], [sflag:$0x10] =	stream.indirect.gather.add.f32 [spmem:s2], $0x80, s7, s21, $0xb8;
	[tilespmem:$0x12340] =	vst v63  }
0xd6: {  	_ =	swait.ge [sflag:s10], $0x2000  }
0xd7: {  	[sflag:s10] =	ssyncset.done $0x0  }
0xd8: {  	s7 =	rddreg [dreg:$0x10];
	[sflag:s10] =	ssyncadd.s32 $0xFFFFE000  }
0xd9: {  	[hbm4b:s7+s1] =	stream.linear.scatter [tilespmem:s20], [sflag:$0x11], $0x2000, $0x38;
	[tilespmem:$0x12340] =	vst v63  }
0xda: {  	_ =	swait.ge [sflag:s5], $0x2000  }
0xdb: {  	[sflag:s5] =	ssyncset.done $0x0  }
0xdc: {  	s7 =	rddreg [dreg:$0x11];
	[sflag:s5] =	ssyncadd.s32 $0xFFFFE000  }
0xdd: {  	[hbm4b:s7+s1] =	stream.linear.scatter [tilespmem:s17], [sflag:$0x12], $0x2000, $0x38;
	[tilespmem:$0x12340] =	vst v63  }
0xde: {  	_ =	swait.ge [sflag:s4], $0x2000  }
0xdf: {  	[sflag:s4] =	ssyncset.done $0x0  }
0xe0: {  	s6 =	rddreg [dreg:$0x12];
	[sflag:s4] =	ssyncadd.s32 $0xFFFFE000  }
0xe1: {  	[hbm4b:s6+s1] =	stream.linear.scatter [tilespmem:s24], [sflag:$0x13], $0x2000, $0x38;
	[tilespmem:$0x12340] =	vst v63  }
0xe2: {  	_ =	swait.ge [sflag:s3], $0x2000  }
0xe3: {  	[sflag:s3] =	ssyncset.done $0x0  }
0xe4: {  	s7 =	rddreg [dreg:$0x13];
	[sflag:s3] =	ssyncadd.s32 $0xFFFFE000  }
0xe5: {  	[hbm4b:s7+s1] =	stream.linear.scatter [tilespmem:s15], [sflag:$0x14], $0x2000, $0x38;
	[tilespmem:$0x12340] =	vst v63  }
0xe6: {  	_ =	swait.ge [sflag:s0], $0x2000  }
0xe7: {  	[sflag:s0] =	ssyncset.done $0x0  }
0xe8: {  	s6 =	rddreg [dreg:$0x14];
	[sflag:s0] =	ssyncadd.s32 $0xFFFFE000  }
0xe9: {  	[hbm4b:s6+s1] =	stream.linear.scatter [tilespmem:s14], [sflag:$0x15], $0x2000, $0x38;
	[tilespmem:$0x12340] =	vst v63  }
0xea: {  	_ =	swait.ge [sflag:s31], $0x2000  }
0xeb: {  	[sflag:s31] =	ssyncset.done $0x0  }
0xec: {  	s7 =	rddreg [dreg:$0x15];
	[sflag:s31] =	ssyncadd.s32 $0xFFFFE000  }
0xed: {  	[hbm4b:s7+s1] =	stream.linear.scatter [tilespmem:s13], [sflag:$0x16], $0x2000, $0x38;
	[tilespmem:$0x12340] =	vst v63  }
0xee: {  	_ =	swait.ge [sflag:s30], $0x2000  }
0xef: {  	[sflag:s30] =	ssyncset.done $0x0  }
0xf0: {  	s6 =	rddreg [dreg:$0x16];
	[sflag:s30] =	ssyncadd.s32 $0xFFFFE000  }
0xf1: {  	[hbm4b:s6+s1] =	stream.linear.scatter [tilespmem:s12], [sflag:$0x17], $0x2000, $0x38;
	[tilespmem:$0x12340] =	vst v63  }
0xf2: {  	_ =	swait.ge [sflag:s29], $0x2000  }
0xf3: {  	[sflag:s29] =	ssyncset.done $0x0  }
0xf4: {  	s7 =	rddreg [dreg:$0x17];
	[sflag:s29] =	ssyncadd.s32 $0xFFFFE000  }
0xf5: {  	[hbm4b:s7+s1] =	stream.linear.scatter [tilespmem:s11], [sflag:$0x18], $0x2000, $0x38;
	[tilespmem:$0x12340] =	vst v63  }
0xf6: {  	_ =	swait.ge [sflag:s28], $0x2000  }
0xf7: {  	[sflag:s28] =	ssyncset.done $0x0  }
0xf8: {  	[sflag:s28] =	ssyncadd.s32 $0xFFFFE000  }
0xf9: {  	_ =	swait.ge [sflag:s26], $0x2000  }
0xfa: {  	[sflag:s26] =	ssyncset.done $0x0  }
0xfb: {  	[sflag:s26] =	ssyncadd.s32 $0xFFFFE000  }
0xfc: {  	_ =	swait.ge [sflag:s25], $0x2000  }
0xfd: {  	[sflag:s25] =	ssyncset.done $0x0  }
0xfe: {  	[sflag:s25] =	ssyncadd.s32 $0xFFFFE000  }
0xff: {  	_ =	swait.ge [sflag:s23], $0x2000  }
0x100: {  	[sflag:s23] =	ssyncset.done $0x0  }
0x101: {  	[sflag:s23] =	ssyncadd.s32 $0xFFFFE000  }
0x102: {  	_ =	swait.ge [sflag:s22], $0x2000  }
0x103: {  	[sflag:s22] =	ssyncset.done $0x0  }
0x104: {  	[sflag:s22] =	ssyncadd.s32 $0xFFFFE000  }
0x105: {  	_ =	swait.ge [sflag:s19], $0x2000  }
0x106: {  	s9 =	sadd.s32 $0xFFFFFFFF, s9;
	[sflag:s19] =	ssyncset.done $0x0  }
0x107: {  	p2 =	sne.s32 s9, $0x0;
	[sflag:s19] =	ssyncadd.s32 $0xFFFFE000  }
.Ltmp2:
0x108: {  	_ =	swait.ge [sflag:s18], $0x2000;
	(pc) =	sbr.rel @p2 .LBB2_3-.Ltmp2, $4  }
0x109: {  	[sflag:s18] =	ssyncset.done $0x0  }
0x10a: {  	s16 =	simm.s32 $0x18;
	[sflag:s18] =	ssyncadd.s32 $0xFFFFE000  }
0x10b: {  	_ =	swait.ge [sflag:s16], $0x2000  }
0x10c: {  	s10 =	rddreg [dreg:$0x7];
	[sflag:s16] =	ssyncset.done $0x0  }
0x10d: {  	s20 =	rddreg [dreg:$0x1f]  }
.LBB2_5:
0x10e: {  	[sflag:s16] =	ssyncadd.s32 @p1 $0xFFFFE000;
	s18 =	simm.s32 $0x2340  }
0x10f: {  	[tilespmem:s18], [sflag:$0x1] =	stream.linear.gather [hbm4b:s10+s1], $0x2000, $0x38;
	[tilespmem:$0x12340] =	vst v63  }
0x110: {  	s8 =	rddreg [dreg:$0x8];
	s17 =	simm.s32 $0x4340  }
0x111: {  	[tilespmem:s17], [sflag:$0x2] =	stream.linear.gather [hbm4b:s8+s1], $0x2000, $0x38;
	[tilespmem:$0x12340] =	vst v63  }
0x112: {  	s9 =	rddreg [dreg:$0x9];
	s10 =	simm.s32 $0x6340  }
0x113: {  	[tilespmem:s10], [sflag:$0x3] =	stream.linear.gather [hbm4b:s9+s1], $0x2000, $0x38;
	[tilespmem:$0x12340] =	vst v63  }
0x114: {  	s0 =	rddreg [dreg:$0xa]  }
0x115: {  	[tilespmem:s15], [sflag:$0x4] =	stream.linear.gather [hbm4b:s0+s1], $0x2000, $0x38;
	[tilespmem:$0x12340] =	vst v63  }
0x116: {  	s3 =	rddreg [dreg:$0xb]  }
0x117: {  	[tilespmem:s14], [sflag:$0x5] =	stream.linear.gather [hbm4b:s3+s1], $0x2000, $0x38;
	[tilespmem:$0x12340] =	vst v63  }
0x118: {  	s4 =	rddreg [dreg:$0xc]  }
0x119: {  	[tilespmem:s13], [sflag:$0x6] =	stream.linear.gather [hbm4b:s4+s1], $0x2000, $0x38;
	[tilespmem:$0x12340] =	vst v63  }
0x11a: {  	s5 =	rddreg [dreg:$0xd]  }
0x11b: {  	[tilespmem:s12], [sflag:$0x7] =	stream.linear.gather [hbm4b:s5+s1], $0x2000, $0x38;
	[tilespmem:$0x12340] =	vst v63  }
0x11c: {  	s6 =	rddreg [dreg:$0xe]  }
0x11d: {  	[tilespmem:s11], [sflag:$0x8] =	stream.linear.gather [hbm4b:s6+s1], $0x2000, $0x38;
	[tilespmem:$0x12340] =	vst v63  }
0x11e: {  	s7 =	rddreg [dreg:$0xf];
	s0 =	simm.s32 $0x19  }
0x11f: {  	[tilespmem:s1], [sflag:$0x19] =	stream.linear.gather [hbm4b:s7+s1], $0x400, $0x38;
	[tilespmem:$0x12340] =	vst v63  }
0x120: {  	_ =	swait.ge [sflag:s0], $0x400  }
0x121: {  	[sflag:s0] =	ssyncset.done $0x0  }
0x122: {  	s7 =	simm.s32 @!p0 $0x1C19;
	s8 =	rddreg [dreg:$0x6];
	[sflag:s0] =	ssyncadd.s32 $0xFFFFFC00  }
0x123: {  	[spmem:s20], [sflag:s7] =	dma.local @!p0 [hbm:s8], $0x3E80  }
0x124: {  	s7 =	simm.s32 @!p0 $0x19  }
0x125: {  	_ =	swait.ge @!p0 [sflag:s7], $0x3E80  }
0x126: {  	[sflag:s7] =	ssyncset.done @!p0 $0x0  }
0x127: {  	[sflag:s7] =	ssyncadd.s32 @!p0 $0xFFFFC180  }
0x128: {  	s9 =	simm.s32 $0x1;
	[bflag:$0x0] =	sbarrier.arrive $0xFFFF  }
0x129: {  	_ =	swait.ge [sflag:s9], $0x2000  }
0x12a: {  	[sflag:s9] =	ssyncset.done $0x0  }
0x12b: {  	s19 =	simm.s32 $0x2;
	[sflag:s9] =	ssyncadd.s32 $0xFFFFE000  }
0x12c: {  	[tilespmem:s18], [sflag:$0x9] =	stream.indirect.gather.add.f32 [spmem:s2], $0x80, s1, s21, $0xb8;
	[tilespmem:$0x12340] =	vst v63  }
0x12d: {  	_ =	swait.ge [sflag:s19], $0x2000  }
0x12e: {  	[sflag:s19] =	ssyncset.done $0x0  }
0x12f: {  	s20 =	simm.s32 $0x3;
	s5 =	rddreg [dreg:$0x18];
	[sflag:s19] =	ssyncadd.s32 $0xFFFFE000  }
0x130: {  	[tilespmem:s17], [sflag:$0xA] =	stream.indirect.gather.add.f32 [spmem:s2], $0x80, s5, s21, $0xb8;
	[tilespmem:$0x12340] =	vst v63  }
0x131: {  	_ =	swait.ge [sflag:s20], $0x2000  }
0x132: {  	[sflag:s20] =	ssyncset.done $0x0  }
0x133: {  	s23 =	simm.s32 $0x4;
	s22 =	rddreg [dreg:$0x19];
	[sflag:s20] =	ssyncadd.s32 $0xFFFFE000  }
0x134: {  	[tilespmem:s10], [sflag:$0xB] =	stream.indirect.gather.add.f32 [spmem:s2], $0x80, s22, s21, $0xb8;
	[tilespmem:$0x12340] =	vst v63  }
0x135: {  	_ =	swait.ge [sflag:s23], $0x2000  }
0x136: {  	[sflag:s23] =	ssyncset.done $0x0  }
0x137: {  	s24 =	simm.s32 $0x5;
	s4 =	rddreg [dreg:$0x1a];
	[sflag:s23] =	ssyncadd.s32 $0xFFFFE000  }
0x138: {  	[tilespmem:s15], [sflag:$0xC] =	stream.indirect.gather.add.f32 [spmem:s2], $0x80, s4, s21, $0xb8;
	[tilespmem:$0x12340] =	vst v63  }
0x139: {  	_ =	swait.ge [sflag:s24], $0x2000  }
0x13a: {  	[sflag:s24] =	ssyncset.done $0x0  }
0x13b: {  	s25 =	simm.s32 $0x6;
	s3 =	rddreg [dreg:$0x1b];
	[sflag:s24] =	ssyncadd.s32 $0xFFFFE000  }
0x13c: {  	[tilespmem:s14], [sflag:$0xD] =	stream.indirect.gather.add.f32 [spmem:s2], $0x80, s3, s21, $0xb8;
	[tilespmem:$0x12340] =	vst v63  }
0x13d: {  	_ =	swait.ge [sflag:s25], $0x2000  }
0x13e: {  	[sflag:s25] =	ssyncset.done $0x0  }
0x13f: {  	s28 =	simm.s32 $0x7;
	s26 =	rddreg [dreg:$0x1c];
	[sflag:s25] =	ssyncadd.s32 $0xFFFFE000  }
0x140: {  	[tilespmem:s13], [sflag:$0xE] =	stream.indirect.gather.add.f32 [spmem:s2], $0x80, s26, s21, $0xb8;
	[tilespmem:$0x12340] =	vst v63  }
0x141: {  	_ =	swait.ge [sflag:s28], $0x2000  }
0x142: {  	[sflag:s28] =	ssyncset.done $0x0  }
0x143: {  	s30 =	simm.s32 $0x8;
	s29 =	rddreg [dreg:$0x1d];
	[sflag:s28] =	ssyncadd.s32 $0xFFFFE000  }
0x144: {  	[tilespmem:s12], [sflag:$0xF] =	stream.indirect.gather.add.f32 [spmem:s2], $0x80, s29, s21, $0xb8;
	[tilespmem:$0x12340] =	vst v63  }
0x145: {  	_ =	swait.ge [sflag:s30], $0x2000  }
0x146: {  	[sflag:s30] =	ssyncset.done $0x0  }
0x147: {  	s3 =	simm.s32 $0x9;
	s31 =	rddreg [dreg:$0x1e];
	[sflag:s30] =	ssyncadd.s32 $0xFFFFE000  }
0x148: {  	[tilespmem:s11], [sflag:$0x10] =	stream.indirect.gather.add.f32 [spmem:s2], $0x80, s31, s21, $0xb8;
	[tilespmem:$0x12340] =	vst v63  }
0x149: {  	_ =	swait.ge [sflag:s3], $0x2000  }
0x14a: {  	[sflag:s3] =	ssyncset.done $0x0  }
0x14b: {  	s5 =	simm.s32 $0xA;
	s4 =	rddreg [dreg:$0x10];
	[sflag:s3] =	ssyncadd.s32 $0xFFFFE000  }
0x14c: {  	[hbm4b:s4+s1] =	stream.linear.scatter [tilespmem:s18], [sflag:$0x11], $0x2000, $0x38;
	[tilespmem:$0x12340] =	vst v63  }
0x14d: {  	_ =	swait.ge [sflag:s5], $0x2000  }
0x14e: {  	[sflag:s5] =	ssyncset.done $0x0  }
0x14f: {  	s7 =	simm.s32 $0xB;
	s6 =	rddreg [dreg:$0x11];
	[sflag:s5] =	ssyncadd.s32 $0xFFFFE000  }
0x150: {  	[hbm4b:s6+s1] =	stream.linear.scatter [tilespmem:s17], [sflag:$0x12], $0x2000, $0x38;
	[tilespmem:$0x12340] =	vst v63  }
0x151: {  	_ =	swait.ge [sflag:s7], $0x2000  }
0x152: {  	[sflag:s7] =	ssyncset.done $0x0  }
0x153: {  	s9 =	simm.s32 $0xC;
	s8 =	rddreg [dreg:$0x12];
	[sflag:s7] =	ssyncadd.s32 $0xFFFFE000  }
0x154: {  	[hbm4b:s8+s1] =	stream.linear.scatter [tilespmem:s10], [sflag:$0x13], $0x2000, $0x38;
	[tilespmem:$0x12340] =	vst v63  }
0x155: {  	_ =	swait.ge [sflag:s9], $0x2000  }
0x156: {  	[sflag:s9] =	ssyncset.done $0x0  }
0x157: {  	s10 =	rddreg [dreg:$0x13];
	[sflag:s9] =	ssyncadd.s32 $0xFFFFE000  }
0x158: {  	[hbm4b:s10+s1] =	stream.linear.scatter [tilespmem:s15], [sflag:$0x14], $0x2000, $0x38;
	[tilespmem:$0x12340] =	vst v63  }
0x159: {  	s15 =	simm.s32 $0xD  }
0x15a: {  	_ =	swait.ge [sflag:s15], $0x2000  }
0x15b: {  	[sflag:s15] =	ssyncset.done $0x0  }
0x15c: {  	s18 =	simm.s32 $0xE;
	s17 =	rddreg [dreg:$0x14];
	[sflag:s15] =	ssyncadd.s32 $0xFFFFE000  }
0x15d: {  	[hbm4b:s17+s1] =	stream.linear.scatter [tilespmem:s14], [sflag:$0x15], $0x2000, $0x38;
	[tilespmem:$0x12340] =	vst v63  }
0x15e: {  	_ =	swait.ge [sflag:s18], $0x2000  }
0x15f: {  	[sflag:s18] =	ssyncset.done $0x0  }
0x160: {  	s20 =	simm.s32 $0xF;
	s19 =	rddreg [dreg:$0x15];
	[sflag:s18] =	ssyncadd.s32 $0xFFFFE000  }
0x161: {  	[hbm4b:s19+s1] =	stream.linear.scatter [tilespmem:s13], [sflag:$0x16], $0x2000, $0x38;
	[tilespmem:$0x12340] =	vst v63  }
0x162: {  	_ =	swait.ge [sflag:s20], $0x2000  }
0x163: {  	[sflag:s20] =	ssyncset.done $0x0  }
0x164: {  	s22 =	simm.s32 $0x10;
	s21 =	rddreg [dreg:$0x16];
	[sflag:s20] =	ssyncadd.s32 $0xFFFFE000  }
0x165: {  	[hbm4b:s21+s1] =	stream.linear.scatter [tilespmem:s12], [sflag:$0x17], $0x2000, $0x38;
	[tilespmem:$0x12340] =	vst v63  }
0x166: {  	_ =	swait.ge [sflag:s22], $0x2000  }
0x167: {  	[sflag:s22] =	ssyncset.done $0x0  }
0x168: {  	s24 =	simm.s32 $0x11;
	s23 =	rddreg [dreg:$0x17];
	[sflag:s22] =	ssyncadd.s32 $0xFFFFE000  }
0x169: {  	[hbm4b:s23+s1] =	stream.linear.scatter [tilespmem:s11], [sflag:$0x18], $0x2000, $0x38;
	[tilespmem:$0x12340] =	vst v63  }
0x16a: {  	_ =	swait.ge [sflag:s24], $0x2000  }
0x16b: {  	[sflag:s24] =	ssyncset.done $0x0  }
0x16c: {  	s25 =	simm.s32 $0x12;
	[sflag:s24] =	ssyncadd.s32 $0xFFFFE000  }
0x16d: {  	_ =	swait.ge [sflag:s25], $0x2000  }
0x16e: {  	[sflag:s25] =	ssyncset.done $0x0  }
0x16f: {  	s26 =	simm.s32 $0x13;
	[sflag:s25] =	ssyncadd.s32 $0xFFFFE000  }
0x170: {  	_ =	swait.ge [sflag:s26], $0x2000  }
0x171: {  	[sflag:s26] =	ssyncset.done $0x0  }
0x172: {  	s28 =	simm.s32 $0x14;
	[sflag:s26] =	ssyncadd.s32 $0xFFFFE000  }
0x173: {  	_ =	swait.ge [sflag:s28], $0x2000  }
0x174: {  	[sflag:s28] =	ssyncset.done $0x0  }
0x175: {  	s29 =	simm.s32 $0x15;
	[sflag:s28] =	ssyncadd.s32 $0xFFFFE000  }
0x176: {  	_ =	swait.ge [sflag:s29], $0x2000  }
0x177: {  	[sflag:s29] =	ssyncset.done $0x0  }
0x178: {  	s30 =	simm.s32 $0x16;
	[sflag:s29] =	ssyncadd.s32 $0xFFFFE000  }
0x179: {  	_ =	swait.ge [sflag:s30], $0x2000  }
0x17a: {  	[sflag:s30] =	ssyncset.done $0x0  }
0x17b: {  	s31 =	simm.s32 $0x17;
	[sflag:s30] =	ssyncadd.s32 $0xFFFFE000  }
0x17c: {  	_ =	swait.ge [sflag:s31], $0x2000  }
0x17d: {  	[sflag:s31] =	ssyncset.done $0x0  }
0x17e: {  	[sflag:s31] =	ssyncadd.s32 $0xFFFFE000  }
0x17f: {  	_ =	swait.ge [sflag:s16], $0x2000  }
0x180: {  	[sflag:s16] =	ssyncset.done $0x0  }
0x181: {  	[sflag:s16] =	ssyncadd.s32 $0xFFFFE000  }
0x182: {  	_ =	sfence.sel $0x180000  }
0x183: {  	[bflag:$0x0] =	sbarrier.arrive $0xFFFF  }
0x184: {  	_ =	strace $0x90000047  }
0x185: {  	[bflag:$0x2] =	sbarrier.arrive $0xFFFF  }
0x186: {  	s0 =	rddreg [dreg:$0x5]  }
0x187: {  	s0 =	sadd.s32 @!p0 $0x100000, s0  }
0x188: {  	[sflag:s0] =	ssyncadd.tile.s32 @!p0 $0x1;
	_ =	shalt  }
.LBB2_6:
.Ltmp3:
0x189: {  	(pc) =	sbr.rel .LBB2_5-.Ltmp3, $2  }
0x18a: {  	_ =	sdelay $0x2  }
0x18b: {  	s20 =	rddreg [dreg:$0x1f]  }
.Lfunc_end2:
_tile_overlayer_lowered:
.L_overlay_start_2:
0x18c: {  	(tag) =	ssettag $0x2  }
0x18d: {  	s0 =	rddreg [dreg:$0x0];
	s2 =	stileid.u32  }
0x18e: {  	s1 =	rddreg [dreg:$0x1];
	p0 =	sne.s32 s2, $0x0  }
0x18f: {  	s3 =	rddreg [dreg:$0x2];
	[bflag:$0x3] =	sbarrier.arrive $0xFFFF;
	s2 =	simm.s32 @!p0 $0x1C19  }
0x190: {  	[timem:s3], [sflag:s2] =	dma.local @!p0 [hbm:s0], s1  }
0x191: {  	s0 =	simm.s32 @!p0 $0x19  }
0x192: {  	_ =	swait.ge @!p0 [sflag:s0], s1  }
0x193: {  	s1 =	ssub.s32 @!p0 $0x0, s1;
	[sflag:s0] =	ssyncset.done @!p0 $0x0  }
0x194: {  	[sflag:s0] =	ssyncadd.s32 @!p0 s1  }
0x195: {  	[bflag:$0x3] =	sbarrier.arrive $0xFFFF  }
0x196: {  	_ =	shalt  }

</sc_bundles>
